<compile_context>
chip_gen: v7x
topology: tpu7x:2x2x1
jax: 0.10.2.dev20260603
libtpu: 0.0.44.dev20260713+nightly
codegen_flags: <defaults>
</compile_context>

<pallas_src>
import functools
import math

import jax
import jax.numpy as jnp
from jax import lax
from jax.experimental import pallas as pl
from jax.experimental.pallas import tpu as pltpu
from jax.experimental.pallas import tpu_sc as plsc

N = 10000
E = 160000
IN_DIM = 128
OUT_DIM = 128
E_DIM = 16
TIME_DIM = 32
NUM_HEADS = 8
HEAD = OUT_DIM // NUM_HEADS
NUM_RELS = 8
NUM_NTYPES = 4
ROW = IN_DIM + 2 * TIME_DIM
CDIM = 144

NC = 2
NS = 16
NW = NC * NS
EPW = E // NW
GCHUNK = 200
NCHUNKS = EPW // GCHUNK
NPT = N // NS

@functools.cache
def _sc_mesh():
    return plsc.VectorSubcoreMesh(core_axis_name="c", subcore_axis_name="s",
                                  num_cores=NC, num_subcores=NS)


def _gather_body(table_hbm, srcidx_hbm, dstidx_hbm, out_s_hbm, out_d_hbm,
                 idx_v, rows_v, sem):
    cid = lax.axis_index("c")
    sid = lax.axis_index("s")
    base = (cid * NS + sid) * EPW

    def step(j, carry):
        off = base + j * GCHUNK
        pltpu.sync_copy(srcidx_hbm.at[pl.ds(off, GCHUNK)], idx_v)
        pltpu.async_copy(table_hbm.at[idx_v], rows_v, sem).wait()
        pltpu.sync_copy(rows_v, out_s_hbm.at[pl.ds(off, GCHUNK)])
        pltpu.sync_copy(dstidx_hbm.at[pl.ds(off, GCHUNK)], idx_v)
        pltpu.async_copy(table_hbm.at[idx_v], rows_v, sem).wait()
        pltpu.sync_copy(rows_v, out_d_hbm.at[pl.ds(off, GCHUNK)])
        return carry

    lax.fori_loop(0, NCHUNKS, step, 0)


@jax.jit
def _gather(table, src, dst):
    k = pl.kernel(
        _gather_body,
        out_type=(jax.ShapeDtypeStruct((E, ROW), jnp.float32),
                  jax.ShapeDtypeStruct((E, ROW), jnp.float32)),
        mesh=_sc_mesh(),
        scratch_types=[
            pltpu.VMEM((GCHUNK,), jnp.int32),
            pltpu.VMEM((GCHUNK, ROW), jnp.float32),
            pltpu.SemaphoreType.DMA,
        ],
        compiler_params=pltpu.CompilerParams(use_tc_tiling_on_sc=False),
    )
    return k(table, src, dst)


def _scatter_body(contrib_hbm, dstidx_hbm, zeros_hbm, out_hbm,
                  idx_v, rows_v, acc_sh):
    cid = lax.axis_index("c")
    sid = lax.axis_index("s")
    pltpu.sync_copy(zeros_hbm.at[pl.ds(sid * NPT, NPT)],
                    acc_sh.at[pl.ds(sid * NPT, NPT)])
    plsc.subcore_barrier()
    base = (cid * NS + sid) * EPW

    def step(j, carry):
        off = base + j * GCHUNK
        pltpu.sync_copy(dstidx_hbm.at[pl.ds(off, GCHUNK)], idx_v)
        pltpu.sync_copy(contrib_hbm.at[pl.ds(off, GCHUNK)], rows_v)
        pltpu.sync_copy(rows_v, acc_sh.at[idx_v], add=True)
        return carry

    lax.fori_loop(0, NCHUNKS, step, 0)
    plsc.subcore_barrier()
    pltpu.sync_copy(acc_sh.at[pl.ds(sid * NPT, NPT)],
                    out_hbm.at[cid, pl.ds(sid * NPT, NPT)])


@jax.jit
def _scatter(contrib, dst, zeros):
    k = pl.kernel(
        _scatter_body,
        out_type=jax.ShapeDtypeStruct((NC, N, CDIM), jnp.float32),
        mesh=_sc_mesh(),
        scratch_types=[
            pltpu.VMEM((GCHUNK,), jnp.int32),
            pltpu.VMEM((GCHUNK, CDIM), jnp.float32),
            pltpu.VMEM_SHARED((N, CDIM), jnp.float32),
        ],
        compiler_params=pltpu.CompilerParams(use_tc_tiling_on_sc=False),
    )
    return k(contrib, dst, zeros)


EBLK = 2000


def _layer_norm(x, g, b, eps=1e-5):
    mu = jnp.mean(x, axis=-1, keepdims=True)
    var = jnp.mean((x - mu) * (x - mu), axis=-1, keepdims=True)
    return (x - mu) * jax.lax.rsqrt(var + eps) * g + b


def _typed(x, et, w_ref, nrel, dtype=jnp.float32):
    acc = jnp.zeros((x.shape[0], OUT_DIM), jnp.float32)
    xc = x.astype(dtype)
    for r in range(nrel):
        m = (et == r).astype(jnp.float32)
        acc = acc + m * jnp.dot(xc, w_ref[r].astype(dtype),
                                preferred_element_type=jnp.float32)
    return acc


def _head_sum_mat():
    i = lax.broadcasted_iota(jnp.int32, (OUT_DIM, NUM_HEADS), 0)
    h = lax.broadcasted_iota(jnp.int32, (OUT_DIM, NUM_HEADS), 1)
    return (i // HEAD == h).astype(jnp.float32)


def _head_bcast_mat():
    h = lax.broadcasted_iota(jnp.int32, (NUM_HEADS, OUT_DIM), 0)
    i = lax.broadcasted_iota(jnp.int32, (NUM_HEADS, OUT_DIM), 1)
    return (i // HEAD == h).astype(jnp.float32)


def _edge_kernel_body(rs_ref, rd_ref, eh_ref, t_ref, et_ref,
                      wq_ref, wk_ref, wv_ref, gs_ref, bs_ref, gd_ref, bd_ref,
                      out_ref):
    rs = rs_ref[...]
    rd = rd_ref[...]
    t = t_ref[...]
    et = et_ref[...]
    hs = rs[:, :IN_DIM]
    dia_s = jnp.sin(rs[:, IN_DIM:IN_DIM + TIME_DIM] * t
                    + rs[:, IN_DIM + TIME_DIM:]) * hs[:, :TIME_DIM]
    xs = jnp.concatenate([dia_s, hs[:, TIME_DIM:], eh_ref[...]], axis=1)
    xs = _layer_norm(xs, gs_ref[...], bs_ref[...])
    hd = rd[:, :IN_DIM]
    dia_d = jnp.sin(rd[:, IN_DIM:IN_DIM + TIME_DIM] * t
                    + rd[:, IN_DIM + TIME_DIM:]) * hd[:, :TIME_DIM]
    xd = jnp.concatenate([dia_d, hd[:, TIME_DIM:]], axis=1)
    xd = _layer_norm(xd, gd_ref[...], bd_ref[...])

    q = _typed(xd, et, wq_ref, NUM_RELS)
    k = _typed(xs, et, wk_ref, NUM_RELS)
    v = _typed(xs, et, wv_ref, NUM_RELS)

    attn = jnp.dot(q * k, _head_sum_mat(),
                   preferred_element_type=jnp.float32) * (1.0 / math.sqrt(OUT_DIM))
    ex = jnp.exp(attn)
    vw = v * jnp.dot(ex, _head_bcast_mat(),
                     preferred_element_type=jnp.float32)
    out_ref[...] = jnp.concatenate(
        [ex, jnp.zeros((ex.shape[0], CDIM - OUT_DIM - NUM_HEADS), jnp.float32), vw],
        axis=1)


@jax.jit
def _edge_compute(rows_s, rows_d, edge_h, t_col, et_col, Wq, Wk, Wv,
                  gs, bs, gd, bd):
    grid = (E // EBLK,)
    return pl.pallas_call(
        _edge_kernel_body,
        grid=grid,
        in_specs=[
            pl.BlockSpec((EBLK, ROW), lambda i: (i, 0)),
            pl.BlockSpec((EBLK, ROW), lambda i: (i, 0)),
            pl.BlockSpec((EBLK, E_DIM), lambda i: (i, 0)),
            pl.BlockSpec((EBLK, 1), lambda i: (i, 0)),
            pl.BlockSpec((EBLK, 1), lambda i: (i, 0)),
            pl.BlockSpec((NUM_RELS, IN_DIM, OUT_DIM), lambda i: (0, 0, 0)),
            pl.BlockSpec((NUM_RELS, IN_DIM + E_DIM, OUT_DIM), lambda i: (0, 0, 0)),
            pl.BlockSpec((NUM_RELS, IN_DIM + E_DIM, OUT_DIM), lambda i: (0, 0, 0)),
            pl.BlockSpec((1, IN_DIM + E_DIM), lambda i: (0, 0)),
            pl.BlockSpec((1, IN_DIM + E_DIM), lambda i: (0, 0)),
            pl.BlockSpec((1, IN_DIM), lambda i: (0, 0)),
            pl.BlockSpec((1, IN_DIM), lambda i: (0, 0)),
        ],
        out_specs=pl.BlockSpec((EBLK, CDIM), lambda i: (i, 0)),
        out_shape=jax.ShapeDtypeStruct((E, CDIM), jnp.float32),
    )(rows_s, rows_d, edge_h, t_col, et_col, Wq, Wk, Wv, gs, bs, gd, bd)


NBLK = 1000


def _epi_kernel_body(p_ref, srch_ref, nt_ref, hb_ref, wa_ref, skip_ref, out_ref):
    s = p_ref[0] + p_ref[1]
    den = s[:, :NUM_HEADS]
    num = s[:, NUM_HEADS + (CDIM - OUT_DIM - NUM_HEADS):]
    den = jnp.where(den > 0.0, den, 1.0)
    h = num / jnp.dot(den, _head_bcast_mat(), preferred_element_type=jnp.float32)
    nt = nt_ref[...]
    onehot = (nt == lax.broadcasted_iota(jnp.int32, (1, NUM_NTYPES), 1)
              ).astype(jnp.float32)
    h = h + jnp.dot(onehot, hb_ref[...], preferred_element_type=jnp.float32)
    h2 = _typed(h, nt, wa_ref, NUM_NTYPES)
    al = jax.nn.sigmoid(jnp.dot(onehot, skip_ref[...],
                                preferred_element_type=jnp.float32))
    out_ref[...] = h2 * al + srch_ref[...] * (1.0 - al)


@jax.jit
def _epilogue(partials, src_h, nt_col, h_bias, Wa, skip_col):
    grid = (N // NBLK,)
    return pl.pallas_call(
        _epi_kernel_body,
        grid=grid,
        in_specs=[
            pl.BlockSpec((NC, NBLK, CDIM), lambda i: (0, i, 0)),
            pl.BlockSpec((NBLK, IN_DIM), lambda i: (i, 0)),
            pl.BlockSpec((NBLK, 1), lambda i: (i, 0)),
            pl.BlockSpec((NUM_NTYPES, OUT_DIM), lambda i: (0, 0)),
            pl.BlockSpec((NUM_NTYPES, OUT_DIM, OUT_DIM), lambda i: (0, 0, 0)),
            pl.BlockSpec((NUM_NTYPES, 1), lambda i: (0, 0)),
        ],
        out_specs=pl.BlockSpec((NBLK, OUT_DIM), lambda i: (i, 0)),
        out_shape=jax.ShapeDtypeStruct((N, OUT_DIM), jnp.float32),
    )(partials, src_h, nt_col, h_bias, Wa, skip_col)


def kernel(src_h, src_tw, src_tb, edge_h, edge_date, Wq, Wk, Wv, Wa,
           src_ln_g, src_ln_b, dst_ln_g, dst_ln_b, h_bias, skip,
           edge_index, edge_etype, dst_ntype):
    src = edge_index[0]
    dst = edge_index[1]
    table = jnp.concatenate([src_h, src_tw, src_tb], axis=1)
    rows_s, rows_d = _gather(table, src, dst)
    contrib = _edge_compute(
        rows_s, rows_d, edge_h,
        edge_date.reshape(E, 1), edge_etype.reshape(E, 1),
        Wq, Wk, Wv,
        src_ln_g.reshape(1, -1), src_ln_b.reshape(1, -1),
        dst_ln_g.reshape(1, -1), dst_ln_b.reshape(1, -1))
    partials = _scatter(contrib, dst, jnp.zeros((N, CDIM), jnp.float32))
    return _epilogue(partials, src_h, dst_ntype.reshape(N, 1),
                     h_bias, Wa, skip.reshape(NUM_NTYPES, 1))

# --- scband reference (transcript-rebuilt; emitter-appended) ---
"""Pipeline reference for scband-htgtlayer-71116068487908 (READ-ONLY COPY).

The authoritative reference and input builder live on the scoring server;
editing this copy changes nothing except your own understanding.
"""

import math
import jax, jax.numpy as jnp
import numpy as np

N = 10000
E = 160000
IN_DIM = 128
OUT_DIM = 128
E_DIM = 16
TIME_DIM = 32
NUM_HEADS = 8
HEAD = OUT_DIM // NUM_HEADS
NUM_NTYPES = 4
NUM_RELS = 8


def _layer_norm(x, g, b, eps=1e-5):
    mu = jnp.mean(x, axis=-1, keepdims=True)
    var = jnp.var(x, axis=-1, keepdims=True)
    return (x - mu) / jnp.sqrt(var + eps) * g + b


def _typed_linear(x, types, W):
    # DGL TypedLinear: per-row weight selected by type id; no bias.
    out = jnp.zeros((x.shape[0], W.shape[2]), dtype=x.dtype)
    for r in range(W.shape[0]):
        out = out + jnp.where((types == r)[:, None], x @ W[r], 0.0)
    return out


def setup_inputs(seed: int = 0):
    key = jax.random.key(seed)
    ks = jax.random.split(key, 16)
    src_h = jax.random.normal(ks[0], (N, IN_DIM), jnp.float32)
    src_tw = jax.random.normal(ks[1], (N, TIME_DIM), jnp.float32)
    src_tb = jax.random.normal(ks[2], (N, TIME_DIM), jnp.float32)
    edge_h = jax.random.normal(ks[3], (E, E_DIM), jnp.float32)
    edge_date = jax.random.uniform(ks[4], (E,), jnp.float32)
    edge_index = jax.random.randint(ks[5], (2, E), 0, N, dtype=jnp.int32)
    edge_etype = jax.random.randint(ks[6], (E,), 0, NUM_RELS, dtype=jnp.int32)
    dst_ntype = jax.random.randint(ks[7], (N,), 0, NUM_NTYPES, dtype=jnp.int32)
    Wq = jax.random.normal(ks[8], (NUM_RELS, IN_DIM, OUT_DIM), jnp.float32) * 0.05
    Wk = jax.random.normal(ks[9], (NUM_RELS, IN_DIM + E_DIM, OUT_DIM), jnp.float32) * 0.05
    Wv = jax.random.normal(ks[10], (NUM_RELS, IN_DIM + E_DIM, OUT_DIM), jnp.float32) * 0.05
    Wa = jax.random.normal(ks[11], (NUM_NTYPES, OUT_DIM, OUT_DIM), jnp.float32) * 0.05
    src_ln_g = jnp.ones((IN_DIM + E_DIM,), jnp.float32)
    src_ln_b = jnp.zeros((IN_DIM + E_DIM,), jnp.float32)
    dst_ln_g = jnp.ones((IN_DIM,), jnp.float32)
    dst_ln_b = jnp.zeros((IN_DIM,), jnp.float32)
    h_bias = jnp.zeros((NUM_NTYPES, OUT_DIM), jnp.float32)
    skip = jnp.ones((NUM_NTYPES,), jnp.float32)
    return {
        'src_h': src_h, 'src_tw': src_tw, 'src_tb': src_tb,
        'edge_h': edge_h, 'edge_date': edge_date,
        'Wq': Wq, 'Wk': Wk, 'Wv': Wv, 'Wa': Wa,
        'src_ln_g': src_ln_g, 'src_ln_b': src_ln_b,
        'dst_ln_g': dst_ln_g, 'dst_ln_b': dst_ln_b,
        'h_bias': h_bias, 'skip': skip,
        'edge_index': edge_index, 'edge_etype': edge_etype, 'dst_ntype': dst_ntype,
    }


def reference(src_h, src_tw, src_tb, edge_h, edge_date, Wq, Wk, Wv, Wa,
              src_ln_g, src_ln_b, dst_ln_g, dst_ln_b, h_bias, skip,
              edge_index, edge_etype, dst_ntype):
    src = edge_index[0]
    dst = edge_index[1]
    t = edge_date[:, None]
    # time2vec (sin activation) on src and dst endpoints of each edge (g2g: dst data == src data[:N])
    dia_src = jnp.sin(src_tw[src] * t + src_tb[src])
    hs = src_h[src]
    dia_src = jnp.concatenate([dia_src * hs[:, :TIME_DIM], hs[:, TIME_DIM:]], axis=-1)
    dia_dst = jnp.sin(src_tw[dst] * t + src_tb[dst])
    hd = src_h[dst]
    dia_dst = jnp.concatenate([dia_dst * hd[:, :TIME_DIM], hd[:, TIME_DIM:]], axis=-1)
    dia_src = jnp.concatenate([dia_src, edge_h], axis=1)
    # pre_norm=True path
    dia_src = _layer_norm(dia_src, src_ln_g, src_ln_b)
    dia_dst = _layer_norm(dia_dst, dst_ln_g, dst_ln_b)
    q = _typed_linear(dia_dst, edge_etype, Wq).reshape(E, NUM_HEADS, HEAD)
    k = _typed_linear(dia_src, edge_etype, Wk).reshape(E, NUM_HEADS, HEAD)
    v = _typed_linear(dia_src, edge_etype, Wv).reshape(E, NUM_HEADS, HEAD)
    attn = jnp.sum(q * k, axis=-1) / math.sqrt(OUT_DIM)  # [E, H]
    # edge_softmax over incoming edges per dst node
    amax = jax.ops.segment_max(attn, dst, num_segments=N)
    amax = jnp.where(jnp.isfinite(amax), amax, 0.0)
    amax = jax.lax.stop_gradient(amax)
    ex = jnp.exp(attn - amax[dst])
    den = jax.ops.segment_sum(ex, dst, num_segments=N)
    alpha = ex / den[dst]
    m = v * alpha[:, :, None]
    h = jax.ops.segment_sum(m, dst, num_segments=N).reshape(N, OUT_DIM)
    # bias per dst node type
    h = h + h_bias[dst_ntype]
    # self loop (dropout p=0 -> identity)
    al = jax.nn.sigmoid(skip[dst_ntype])[:, None]
    h2 = _typed_linear(h, dst_ntype, Wa)
    h = h2 * al + src_h * (1.0 - al)
    return h

if __name__ == "__main__":
    import jax
    _d = setup_inputs()
    print(jax.jit(kernel)(*tuple(_d.values())))

</pallas_src>

<mosaic_0001>
#map = affine_map<(d0, d1) -> (0, 0)>
#map1 = affine_map<(d0, d1) -> (0)>
module attributes {stable_mosaic.version = 14 : i64} {
  func.func @_gather_body(%arg0: i32, %arg1: i32, %arg2: memref<10000x192xf32, #tpu.memory_space<hbm>>, %arg3: memref<160000xi32, #tpu.memory_space<hbm>>, %arg4: memref<160000xi32, #tpu.memory_space<hbm>>, %arg5: memref<160000x192xf32, #tpu.memory_space<hbm>>, %arg6: memref<160000x192xf32, #tpu.memory_space<hbm>>, %arg7: memref<200xi32, #tpu.memory_space<vmem>>, %arg8: memref<200x192xf32, #tpu.memory_space<vmem>>, %arg9: memref<!tpu.dma_semaphore, #tpu.memory_space<semaphore_mem>>) attributes {dimension_semantics = [#tpu.dimension_semantics<core_parallel>, #tpu.dimension_semantics<subcore_parallel>], iteration_bounds = array<i64: 2, 16>, scalar_prefetch = 0 : i64, scratch_operands = 3 : i64, tpu.core_type = #tpu.core_type<sc_vector_subcore>, window_params = [{transform_indices = #map}, {transform_indices = #map1}, {transform_indices = #map1}, {transform_indices = #map}, {transform_indices = #map}]} {
    %mul3A = arith.constant 16 : i32
    %mul3A_0 = arith.muli %arg0, %mul3A : i32
    %add3A = arith.addi %mul3A_0, %arg1 : i32
    %mul3A_1 = arith.constant 5000 : i32
    %mul3A_2 = arith.muli %add3A, %mul3A_1 : i32
    %scan3A = arith.constant 0 : i32
    %scan3A_3 = arith.constant 0 : i32
    %scan3A_4 = arith.constant 25 : i32
    %scan3A_5 = arith.addi %scan3A_3, %scan3A_4 : i32
    %scan3A_6 = arith.constant 1 : i32
    scf.for %scan3A_8 = %scan3A_3 to %scan3A_5 step %scan3A_6  : i32 {
      %mul3A_9 = arith.constant 200 : i32
      %mul3A_10 = arith.muli %scan3A_8, %mul3A_9 : i32
      %add3A_11 = arith.addi %mul3A_2, %mul3A_10 : i32
      "tpu.region"() ({
        %run_scoped3A = tpu.sem_alloc : memref<!tpu.dma_semaphore, #tpu.memory_space<semaphore_mem>>
        %dma_start3A_22 = tpu.memref_slice %arg3[%add3A_11] : memref<160000xi32, #tpu.memory_space<hbm>> -> memref<200xi32, #tpu.memory_space<hbm>>
        %dma_start3A_23 = tpu.memref_slice %arg3[%add3A_11] : memref<160000xi32, #tpu.memory_space<hbm>> -> memref<200xi32, #tpu.memory_space<hbm>>
        tpu.enqueue_dma source(%dma_start3A_23 : memref<200xi32, #tpu.memory_space<hbm>>) target(%arg7 : memref<200xi32, #tpu.memory_space<vmem>>) target_semaphore(%run_scoped3A : memref<!tpu.dma_semaphore, #tpu.memory_space<semaphore_mem>>)
        %dma_wait3A_24 = tpu.memref_slice %arg3[%add3A_11] : memref<160000xi32, #tpu.memory_space<hbm>> -> memref<200xi32, #tpu.memory_space<hbm>>
        %dma_wait3A_25 = tpu.memref_slice %arg3[%add3A_11] : memref<160000xi32, #tpu.memory_space<hbm>> -> memref<200xi32, #tpu.memory_space<hbm>>
        tpu.wait_dma2 semaphore(%run_scoped3A : memref<!tpu.dma_semaphore, #tpu.memory_space<semaphore_mem>>) src(%dma_wait3A_25 : memref<200xi32, #tpu.memory_space<hbm>>) dst(%arg7 : memref<200xi32, #tpu.memory_space<vmem>>)
        tpu.yield
      }) : () -> ()
      %dma_start3A = arith.constant 0 : i32
      %dma_start3A_12 = arith.constant 0 : i32
      %dma_start3A_13 = tpu.memref_slice %arg2[%dma_start3A, %dma_start3A_12] : memref<10000x192xf32, #tpu.memory_space<hbm>> -> memref<10000x192xf32, #tpu.memory_space<hbm>>
      tpu.enqueue_indirect_dma source(%dma_start3A_13 : memref<10000x192xf32, #tpu.memory_space<hbm>>) target(%arg8 : memref<200x192xf32, #tpu.memory_space<vmem>>) offsets(%arg7 : memref<200xi32, #tpu.memory_space<vmem>>) semaphore(%arg9 : memref<!tpu.dma_semaphore, #tpu.memory_space<semaphore_mem>>)
      %dma_wait3A = arith.constant 0 : i32
      %dma_wait3A_14 = arith.constant 0 : i32
      %dma_wait3A_15 = tpu.memref_slice %arg2[%dma_wait3A, %dma_wait3A_14] : memref<10000x192xf32, #tpu.memory_space<hbm>> -> memref<10000x192xf32, #tpu.memory_space<hbm>>
      tpu.wait_indirect_dma semaphore(%arg9 : memref<!tpu.dma_semaphore, #tpu.memory_space<semaphore_mem>>) src(%dma_wait3A_15 : memref<10000x192xf32, #tpu.memory_space<hbm>>) dst(%arg8 : memref<200x192xf32, #tpu.memory_space<vmem>>)
      "tpu.region"() ({
        %run_scoped3A = tpu.sem_alloc : memref<!tpu.dma_semaphore, #tpu.memory_space<semaphore_mem>>
        %dma_start3A_22 = arith.constant 0 : i32
        %dma_start3A_23 = tpu.memref_slice %arg5[%add3A_11, %dma_start3A_22] : memref<160000x192xf32, #tpu.memory_space<hbm>> -> memref<200x192xf32, #tpu.memory_space<hbm>>
        %dma_start3A_24 = arith.constant 0 : i32
        %dma_start3A_25 = tpu.memref_slice %arg5[%add3A_11, %dma_start3A_24] : memref<160000x192xf32, #tpu.memory_space<hbm>> -> memref<200x192xf32, #tpu.memory_space<hbm>>
        tpu.enqueue_dma source(%arg8 : memref<200x192xf32, #tpu.memory_space<vmem>>) target(%dma_start3A_25 : memref<200x192xf32, #tpu.memory_space<hbm>>) target_semaphore(%run_scoped3A : memref<!tpu.dma_semaphore, #tpu.memory_space<semaphore_mem>>)
        %dma_wait3A_26 = arith.constant 0 : i32
        %dma_wait3A_27 = tpu.memref_slice %arg5[%add3A_11, %dma_wait3A_26] : memref<160000x192xf32, #tpu.memory_space<hbm>> -> memref<200x192xf32, #tpu.memory_space<hbm>>
        %dma_wait3A_28 = arith.constant 0 : i32
        %dma_wait3A_29 = tpu.memref_slice %arg5[%add3A_11, %dma_wait3A_28] : memref<160000x192xf32, #tpu.memory_space<hbm>> -> memref<200x192xf32, #tpu.memory_space<hbm>>
        tpu.wait_dma2 semaphore(%run_scoped3A : memref<!tpu.dma_semaphore, #tpu.memory_space<semaphore_mem>>) src(%arg8 : memref<200x192xf32, #tpu.memory_space<vmem>>) dst(%dma_wait3A_29 : memref<200x192xf32, #tpu.memory_space<hbm>>)
        tpu.yield
      }) : () -> ()
      "tpu.region"() ({
        %run_scoped3A = tpu.sem_alloc : memref<!tpu.dma_semaphore, #tpu.memory_space<semaphore_mem>>
        %dma_start3A_22 = tpu.memref_slice %arg4[%add3A_11] : memref<160000xi32, #tpu.memory_space<hbm>> -> memref<200xi32, #tpu.memory_space<hbm>>
        %dma_start3A_23 = tpu.memref_slice %arg4[%add3A_11] : memref<160000xi32, #tpu.memory_space<hbm>> -> memref<200xi32, #tpu.memory_space<hbm>>
        tpu.enqueue_dma source(%dma_start3A_23 : memref<200xi32, #tpu.memory_space<hbm>>) target(%arg7 : memref<200xi32, #tpu.memory_space<vmem>>) target_semaphore(%run_scoped3A : memref<!tpu.dma_semaphore, #tpu.memory_space<semaphore_mem>>)
        %dma_wait3A_24 = tpu.memref_slice %arg4[%add3A_11] : memref<160000xi32, #tpu.memory_space<hbm>> -> memref<200xi32, #tpu.memory_space<hbm>>
        %dma_wait3A_25 = tpu.memref_slice %arg4[%add3A_11] : memref<160000xi32, #tpu.memory_space<hbm>> -> memref<200xi32, #tpu.memory_space<hbm>>
        tpu.wait_dma2 semaphore(%run_scoped3A : memref<!tpu.dma_semaphore, #tpu.memory_space<semaphore_mem>>) src(%dma_wait3A_25 : memref<200xi32, #tpu.memory_space<hbm>>) dst(%arg7 : memref<200xi32, #tpu.memory_space<vmem>>)
        tpu.yield
      }) : () -> ()
      %dma_start3A_16 = arith.constant 0 : i32
      %dma_start3A_17 = arith.constant 0 : i32
      %dma_start3A_18 = tpu.memref_slice %arg2[%dma_start3A_16, %dma_start3A_17] : memref<10000x192xf32, #tpu.memory_space<hbm>> -> memref<10000x192xf32, #tpu.memory_space<hbm>>
      tpu.enqueue_indirect_dma source(%dma_start3A_18 : memref<10000x192xf32, #tpu.memory_space<hbm>>) target(%arg8 : memref<200x192xf32, #tpu.memory_space<vmem>>) offsets(%arg7 : memref<200xi32, #tpu.memory_space<vmem>>) semaphore(%arg9 : memref<!tpu.dma_semaphore, #tpu.memory_space<semaphore_mem>>)
      %dma_wait3A_19 = arith.constant 0 : i32
      %dma_wait3A_20 = arith.constant 0 : i32
      %dma_wait3A_21 = tpu.memref_slice %arg2[%dma_wait3A_19, %dma_wait3A_20] : memref<10000x192xf32, #tpu.memory_space<hbm>> -> memref<10000x192xf32, #tpu.memory_space<hbm>>
      tpu.wait_indirect_dma semaphore(%arg9 : memref<!tpu.dma_semaphore, #tpu.memory_space<semaphore_mem>>) src(%dma_wait3A_21 : memref<10000x192xf32, #tpu.memory_space<hbm>>) dst(%arg8 : memref<200x192xf32, #tpu.memory_space<vmem>>)
      "tpu.region"() ({
        %run_scoped3A = tpu.sem_alloc : memref<!tpu.dma_semaphore, #tpu.memory_space<semaphore_mem>>
        %dma_start3A_22 = arith.constant 0 : i32
        %dma_start3A_23 = tpu.memref_slice %arg6[%add3A_11, %dma_start3A_22] : memref<160000x192xf32, #tpu.memory_space<hbm>> -> memref<200x192xf32, #tpu.memory_space<hbm>>
        %dma_start3A_24 = arith.constant 0 : i32
        %dma_start3A_25 = tpu.memref_slice %arg6[%add3A_11, %dma_start3A_24] : memref<160000x192xf32, #tpu.memory_space<hbm>> -> memref<200x192xf32, #tpu.memory_space<hbm>>
        tpu.enqueue_dma source(%arg8 : memref<200x192xf32, #tpu.memory_space<vmem>>) target(%dma_start3A_25 : memref<200x192xf32, #tpu.memory_space<hbm>>) target_semaphore(%run_scoped3A : memref<!tpu.dma_semaphore, #tpu.memory_space<semaphore_mem>>)
        %dma_wait3A_26 = arith.constant 0 : i32
        %dma_wait3A_27 = tpu.memref_slice %arg6[%add3A_11, %dma_wait3A_26] : memref<160000x192xf32, #tpu.memory_space<hbm>> -> memref<200x192xf32, #tpu.memory_space<hbm>>
        %dma_wait3A_28 = arith.constant 0 : i32
        %dma_wait3A_29 = tpu.memref_slice %arg6[%add3A_11, %dma_wait3A_28] : memref<160000x192xf32, #tpu.memory_space<hbm>> -> memref<200x192xf32, #tpu.memory_space<hbm>>
        tpu.wait_dma2 semaphore(%run_scoped3A : memref<!tpu.dma_semaphore, #tpu.memory_space<semaphore_mem>>) src(%arg8 : memref<200x192xf32, #tpu.memory_space<vmem>>) dst(%dma_wait3A_29 : memref<200x192xf32, #tpu.memory_space<hbm>>)
        tpu.yield
      }) : () -> ()
    }
    %scan3A_7 = arith.constant 25 : i32
    return
  }
}

</mosaic_0001>

<sc_bundles>
// kernel: _gather.3.cloned.1.call-start
scs
__scs_entry_jumppad:
0x0: {  	(pc) =	sbr.rel $0x88, $3  }
0x1: {  	(tag) =	ssettag $0x0;
	lr =	simm.s32 $0x1  }
0x2: {  	[smem:$0x3F9E] =	sst lr;
	_ =	strace $0xD0000000  }
0x3: {  	_ = 	snop  }
0x4: {  	_ = 	snop  }
0x5: {  	_ = 	snop  }
0x6: {  	_ = 	snop  }
0x7: {  	_ = 	snop  }
__scs_overlays_trampoline_lowered:
0x8: {  	[smem:$0x3FAD] =	sst s0  }
0x9: {  	[smem:$0x3FAE] =	sst s1  }
0xa: {  	[smem:$0x3FAF] =	sst s2  }
0xb: {  	[smem:$0x3FB0] =	sst s3  }
0xc: {  	[smem:$0x3FB1] =	sst s4  }
0xd: {  	[smem:$0x3FB2] =	sst s5  }
0xe: {  	[smem:$0x3FB3] =	sst s6  }
0xf: {  	[smem:$0x3FB4] =	sst s7  }
0x10: {  	[smem:$0x3FB5] =	sst s8  }
0x11: {  	[smem:$0x3FB6] =	sst s9;
	s0 =	simm.s32 @!p0 $0x0  }
0x12: {  	s1 =	sld [smem:$0x3F9C];
	s0 =	simm.s32 @p0 $0x1  }
0x13: {  	[smem:$0x3FB7] =	sst s0;
	s0 =	simm.s32 @!p1 $0x0  }
0x14: {  	s2 =	sld [smem:$0x3F9B];
	s0 =	simm.s32 @p1 $0x1  }
0x15: {  	[smem:$0x3FB8] =	sst s0;
	s0 =	simm.s32 @!p2 $0x0  }
0x16: {  	s3 =	sld [smem:$0x3FDB];
	s0 =	simm.s32 @p2 $0x1  }
0x17: {  	s4 =	simm.s32 $0x1BF5;
	[smem:$0x3FBA] =	sst s0  }
0x18: {  	s0 =	sld [smem:$0x3F9D];
	_ =	swait.ge [sflag:s4], $0x0  }
0x19: {  	s7 =	sld [smem:$0x3F9E]  }
0x1a: {  	s8 =	sadd.s32 $0xFFFFE003, lr  }
0x1b: {  	s9 =	sadd.s32 $0xFFFFFEF7, lr;
	s5 =	simm.s32 $0xFFFFFFFF;
	p2 =	slt.u32 s8, $0xFFFFF086  }
0x1c: {  	p1 =	slt.u32 s9, $0xF7A;
	s5 =	simm.s32 @!p2 $0x0  }
0x1d: {  	s5 =	simm.s32 @p1 $0x1;
	p0 =	seq.s32 s7, s2  }
0x1e: {  	s7 =	smul.u32 @!p0 $0xF7A, s2;
	p2 =	seq.s32 @!p0 s5, $0x0  }
0x1f: {  	s9 =	smul.u32 $0xF7A, s1;
	s8 =	simm.s32 @!p0 $0x1BF5;
	p2 =	por !p2, p0  }
0x20: {  	[sflag:s8] =	ssyncset.s32 @!p0 $0xFFFFF086;
	s6 =	sadd.s32 @!p0 s3, s7;
	s7 =	simm.s32 @!p0 $0x108  }
0x21: {  	s3 =	sadd.s32 s3, s9;
	s6 =	sadd.s32 @!p0 $0x88, s6;
	s7 =	simm.s32 @p2 $0x1082  }
0x22: {  	[simem:s7], [sflag:s8] =	dma.local @!p0 [hbm:s6], $0xF7A  }
0x23: {  	s9 =	sor.u32 $0xD0000000, s2;
	s6 =	simm.s32 $0x108;
	_ =	swait.ge @!p0 [sflag:s8], $0x0  }
0x24: {  	s3 =	sadd.s32 $0x88, s3;
	s6 =	simm.s32 @!p1 $0x1082;
	[sflag:s4] =	ssyncset.s32 $0xFFFFF086  }
0x25: {  	[simem:s6], [sflag:s4] =	dma.local [hbm:s3], $0xF7A  }
0x26: {  	[smem:$0x3F9E] =	sst s1;
	(tag) =	ssettag s2;
	_ =	strace s9  }
0x27: {  	s1 =	sld [smem:$0x3FAE]  }
0x28: {  	s2 =	sld [smem:$0x3FAF]  }
0x29: {  	s4 =	sld [smem:$0x3FB1]  }
0x2a: {  	p0 =	seq.s32 s5, $0x0;
	s5 =	sld [smem:$0x3FB2]  }
0x2b: {  	s6 =	sld [smem:$0x3FB3]  }
0x2c: {  	s7 =	sld [smem:$0x3FB4]  }
0x2d: {  	s3 =	simm.s32 $0x108;
	s8 =	sld [smem:$0x3FB5]  }
0x2e: {  	s3 =	simm.s32 @!p0 $0x1082;
	s9 =	sld [smem:$0x3FB6]  }
0x2f: {  	lr =	sadd.s32 s0, s3;
	s0 =	sld [smem:$0x3FAD]  }
0x30: {  	s3 =	sld [smem:$0x3FB0]  }
0x31: {  	[smem:$0x3FB9] =	sst s10  }
0x32: {  	s10 =	sld [smem:$0x3FB7];
	_ =	sdelay $0x3  }
0x33: {  	p0 =	seq.s32 s10, $0x1;
	s10 =	sld [smem:$0x3FB9];
	_ =	sdelay $0x3  }
0x34: {  	[smem:$0x3FB9] =	sst s10  }
0x35: {  	s10 =	sld [smem:$0x3FB8];
	_ =	sdelay $0x3  }
0x36: {  	p1 =	seq.s32 s10, $0x1;
	s10 =	sld [smem:$0x3FB9];
	_ =	sdelay $0x3  }
0x37: {  	[smem:$0x3FB9] =	sst s10  }
0x38: {  	s10 =	sld [smem:$0x3FBA]  }
0x39: {  	_ = 	snop;
	(pc) =	sbr.ind lr, $3  }
0x3a: {  	_ = 	snop  }
0x3b: {  	_ = 	snop  }
0x3c: {  	p2 =	seq.s32 s10, $0x1;
	s10 =	sld [smem:$0x3FB9]  }
0x3d: {  	_ =	shalt  }
0x3e: {  	_ =	shalt  }
0x3f: {  	_ =	shalt  }
0x40: {  	_ =	shalt  }
0x41: {  	_ =	shalt  }
0x42: {  	_ =	shalt  }
0x43: {  	_ =	shalt  }
0x44: {  	_ =	shalt  }
0x45: {  	_ =	shalt  }
0x46: {  	_ =	shalt  }
0x47: {  	_ =	shalt  }
0x48: {  	_ =	shalt  }
0x49: {  	_ =	shalt  }
0x4a: {  	_ =	shalt  }
0x4b: {  	_ =	shalt  }
0x4c: {  	_ =	shalt  }
0x4d: {  	_ =	shalt  }
0x4e: {  	_ =	shalt  }
0x4f: {  	_ =	shalt  }
0x50: {  	_ =	shalt  }
0x51: {  	_ =	shalt  }
0x52: {  	_ =	shalt  }
0x53: {  	_ =	shalt  }
0x54: {  	_ =	shalt  }
0x55: {  	_ =	shalt  }
0x56: {  	_ =	shalt  }
0x57: {  	_ =	shalt  }
0x58: {  	_ =	shalt  }
0x59: {  	_ =	shalt  }
0x5a: {  	_ =	shalt  }
0x5b: {  	_ =	shalt  }
0x5c: {  	_ =	shalt  }
0x5d: {  	_ =	shalt  }
0x5e: {  	_ =	shalt  }
0x5f: {  	_ =	shalt  }
0x60: {  	_ =	shalt  }
0x61: {  	_ =	shalt  }
0x62: {  	_ =	shalt  }
0x63: {  	_ =	shalt  }
0x64: {  	_ =	shalt  }
0x65: {  	_ =	shalt  }
0x66: {  	_ =	shalt  }
0x67: {  	_ =	shalt  }
0x68: {  	_ =	shalt  }
0x69: {  	_ =	shalt  }
0x6a: {  	_ =	shalt  }
0x6b: {  	_ =	shalt  }
0x6c: {  	_ =	shalt  }
0x6d: {  	_ =	shalt  }
0x6e: {  	_ =	shalt  }
0x6f: {  	_ =	shalt  }
0x70: {  	_ =	shalt  }
0x71: {  	_ =	shalt  }
0x72: {  	_ =	shalt  }
0x73: {  	_ =	shalt  }
0x74: {  	_ =	shalt  }
0x75: {  	_ =	shalt  }
0x76: {  	_ =	shalt  }
0x77: {  	_ =	shalt  }
0x78: {  	_ =	shalt  }
0x79: {  	_ =	shalt  }
0x7a: {  	_ =	shalt  }
0x7b: {  	_ =	shalt  }
0x7c: {  	_ =	shalt  }
0x7d: {  	_ =	shalt  }
0x7e: {  	_ =	shalt  }
0x7f: {  	_ =	shalt  }
0x80: {  	_ =	shalt  }
0x81: {  	_ =	shalt  }
0x82: {  	_ =	shalt  }
0x83: {  	_ =	shalt  }
0x84: {  	_ =	shalt  }
0x85: {  	_ =	shalt  }
0x86: {  	_ =	shalt  }
0x87: {  	_ =	shalt  }
.Lfunc_end0:
.L_simem_size_0:
called_computation.2_lowered:
.L_overlay_start_0:
0x88: {  	s2 =	sld [smem:$0x3FD9]  }
0x89: {  	s3 =	sld [smem:$0x3FFE];
	_ =	sdelay $0x1  }
0x8a: {  	s1 =	srdreg.scid  }
0x8b: {  	s0 =	sand.u32 $0x1, s1  }
0x8c: {  	s14 =	sshll.u32 s0, $0xA;
	s2 =	sadd.s32 s3, s2  }
0x8d: {  	s2 =	sadd.s32 s2, s14  }
0x8e: {  	[smem:$0x3FC5] =	sst s2  }
0x8f: {  	_ = 	snop  }
0x90: {  	s2 =	sld [smem:$0x3FD0];
	_ =	sdelay $0x1  }
0x91: {  	s15 =	sld [smem:$0x3FC8]  }
0x92: {  	s5 =	simm.s32 $0xB;
	s6 =	simm.s32 $0x10;
	s4 =	sld [smem:$0x3FC7]  }
0x93: {  	[smem:s6], [sflag:s5] =	dma.local [hbm:s2], $0x1  }
0x94: {  	_ =	swait.eq [sflag:s5], $0x1  }
0x95: {  	[sflag:s5] =	ssyncset.done $0x0  }
0x96: {  	s16 =	sld [smem:$0x10];
	[sflag:s5] =	ssyncadd.s32 $0xFFFFFFFF  }
0x97: {  	s17 =	sld [smem:$0x11];
	(tm) =	ssettm $0x1  }
0x98: {  	s18 =	sld [smem:$0x3FFB];
	_ =	sdelay $0x3  }
0x99: {  	_ =	strace s18  }
0x9a: {  	s6 =	sld [smem:$0x3FFC];
	_ =	sdelay $0x3  }
0x9b: {  	_ =	strace s6  }
0x9c: {  	s6 =	sld [smem:$0x3FFD];
	_ =	sdelay $0x3  }
0x9d: {  	_ =	strace s6  }
0x9e: {  	_ =	strace $0x8FFFFFFF  }
0x9f: {  	s19 =	sld [smem:$0x3FDB];
	_ =	sdelay $0x1  }
0xa0: {  	s7 =	simm.s32 $_scs_section_size  }
0xa1: {  	s8 =	simm.s32 $_size__tile_overlayer_lowered;
	s9 =	simm.s32 $_tile_overlayer_lowered  }
0xa2: {  	s22 =	simm.s32 $0x1BFF;
	s21 =	sshll.u32 s9, $0x1;
	s6 =	sadd.s32 s7, s19  }
0xa3: {  	s10 =	simm.s32 $0x0;
	s20 =	sshll.u32 s8, $0x1;
	s8 =	sadd.s32 s21, s6  }
0xa4: {  	[timem:s10], [sflag:s22] =	dma.local [hbm:s8], s20  }
0xa5: {  	_ =	swait.ge [sflag:s22], s20  }
0xa6: {  	s7 =	ssub.s32 $0x0, s20;
	[sflag:s22] =	ssyncset.done $0x0  }
0xa7: {  	[sflag:s22] =	ssyncadd.s32 s7;
	_ =	sdelay $0x1  }
0xa8: {  	s23 =	simm.s32 $0x1B8B  }
0xa9: {  	_ =	swait.ge [sflag:s23], $0x1  }
0xaa: {  	[sflag:s23] =	ssyncset.done $0x0  }
0xab: {  	s25 =	simm.s32 $0x1B8E;
	s24 =	sld [smem:$0x3FFE];
	[sflag:s23] =	ssyncadd.s32 $0xFFFFFFFF  }
0xac: {  	s26 =	simm.s32 $execute0_lowered;
	[smem:$0x3FD2] =	sst s25  }
0xad: {  	s8 =	sshll.u32 s26, $0x1;
	_ =	strace $0x80000046;
	[dreg:$0x1] =	wrdreg $0xFFFFFFFF  }
0xae: {  	s28 =	simm.s32 $_size_execute0_lowered;
	s6 =	sadd.s32 s6, s8;
	[dreg:$0x0] =	wrdreg $0x0  }
0xaf: {  	s8 =	sshll.u32 s28, $0x1;
	[dreg:$0x2] =	wrdreg s6  }
0xb0: {  	[dreg:$0x3] =	wrdreg s8  }
0xb1: {  	[dreg:$0x4] =	wrdreg $0xC0  }
0xb2: {  	_ =	task [dreg:s10], $0x5FFFF  }
0xb3: {  	[dreg:$0x1] =	wrdreg $0xFFFFFFFF  }
0xb4: {  	[dreg:$0x0] =	wrdreg $0x60  }
0xb5: {  	[dreg:$0x2] =	wrdreg s24  }
0xb6: {  	[dreg:$0x3] =	wrdreg s15  }
0xb7: {  	[dreg:$0x4] =	wrdreg s4  }
0xb8: {  	[dreg:$0x5] =	wrdreg s16  }
0xb9: {  	[dreg:$0x6] =	wrdreg s17  }
0xba: {  	[dreg:$0x7] =	wrdreg $0x9  }
0xbb: {  	_ =	task.clear_ibuf [dreg:s10], $0x8FFFF;
	_ =	strace $0x90000046  }
0xbc: {  	s29 =	simm.s32 $0x9;
	_ =	strace $0x80000048  }
0xbd: {  	_ =	swait.ge [sflag:s29], $0x1  }
0xbe: {  	[sflag:s29] =	ssyncadd.s32 $0xFFFFFFFF  }
0xbf: {  	_ =	strace $0x90000048  }
0xc0: {  	_ =	sfence  }
0xc1: {  	s30 =	sld [smem:$0x0];
	_ =	sdelay $0x2  }
0xc2: {  	s31 =	sshll.u32 s1, $0xD;
	s1 =	sshrl.u32 s1, $0x2  }
0xc3: {  	s3 =	sand.u32 $0x4000, s31;
	s1 =	sadd.s32 s1, s30  }
0xc4: {  	s0 =	sor.u32 s3, s0;
	s1 =	sshll.u32 s1, $0x11  }
0xc5: {  	s0 =	sor.u32 s1, s0  }
0xc6: {  	s0 =	sadd.s32 $0x8F2B, s0  }
0xc7: {  	[sflag:s0] =	ssyncadd.remote.s32 $0x1  }
0xc8: {  	_ =	sfence.sel $0xFFFF  }
0xc9: {  	[dreg:$0x0] =	wrdreg $0xFFFFFFFF;
	(pc) =	sbr.abs _section_cstart, $3  }
0xca: {  	[dreg:$0x1] =	wrdreg $0xFFFFFFFF  }
0xcb: {  	_ =	task.clear_ibuf [dreg:s10], $0x2FFFF;
	_ =	strace $0x9FFFFFFF  }
0xcc: {  	(tm) =	ssettm $0x7FFFFFFF  }
0xcd: {  	_ =	shalt  }
tec
execute0_lowered:
.L_overlay_start_1:
0x0: {  	(tag) =	ssettag $0x1  }
0x1: {  	s3 =	rddreg [dreg:$0x0]  }
0x2: {  	s8 =	rddreg [dreg:$0x1]  }
0x3: {  	s7 =	rddreg [dreg:$0x2]  }
0x4: {  	s5 =	rddreg [dreg:$0x3]  }
0x5: {  	s6 =	rddreg [dreg:$0x4]  }
0x6: {  	s2 =	srdreg.scid;
	s0 =	rddreg [dreg:$0x5];
	s1 =	simm.s32 $0x0  }
0x7: {  	s4 =	sand.u32 $0x1, s2;
	[smem:$0x7FF] =	sst s1  }
0x8: {  	s2 =	stileid.u32;
	s10 =	smul.u32 $0x1D4C00, s4  }
0x9: {  	s3 =	sadd.s32 $0x1000, s3;
	s9 =	ssub.s32 $0x2, s4;
	s12 =	smul.u32 $0x13880, s4  }
0xa: {  	_ =	strace $0x80000047;
	s30 =	smul.u32 $0x1388, s2;
	s11 =	sshrl.u32 s9, $0x1  }
0xb: {  	s31 =	smul.u32 $0x1D4C0, s2;
	s29 =	ssub.s32 s9, s11;
	s5 =	sadd.s32 s10, s5  }
0xc: {  	s6 =	sadd.s32 s10, s6;
	s9 =	sadd.s32 s30, s12;
	s10 =	simm.s32 $0xC8  }
0xd: {  	s11 =	simm.s32 $0x1;
	s12 =	simm.s32 $0x0;
	s4 =	smax.u32 s29, $0x1  }
0xe: {  	s5 =	sadd.s32 s31, s5;
	s6 =	sadd.s32 s31, s6;
	s9 =	sshrl.u32 s9, $0x3  }
0xf: {  	s7 =	sadd.s32 s9, s7;
	s8 =	sadd.s32 s9, s8;
	s9 =	simm.s32 $0x2  }
.LBB2_1:
0x10: {  	s13 =	sadd.s32 $0x0, s8  }
0x11: {  	[tilespmem:s1], [sflag:$0x2] =	stream.linear.gather [hbm4b:s13+s1], $0xC8, $0x38;
	[tilespmem:$0x96C8] =	vst v63  }
0x12: {  	_ =	swait.ge [sflag:s9], $0xC8  }
0x13: {  	[sflag:s9] =	ssyncset.done $0x0  }
0x14: {  	[sflag:s9] =	ssyncadd.s32 $0xFFFFFF38  }
0x15: {  	[tilespmem:s10], [sflag:$0x1] =	stream.indirect.gather [hbm4b:s3+s10], $0xC0, s1, s10, $0xb8;
	[tilespmem:$0x96C8] =	vst v63  }
0x16: {  	_ =	swait.ge [sflag:s11], $0x9600  }
0x17: {  	[sflag:s11] =	ssyncset.done $0x0  }
0x18: {  	[sflag:s11] =	ssyncadd.s32 $0xFFFF6A00  }
0x19: {  	[hbm4b:s5+s1] =	stream.linear.scatter [tilespmem:s10], [sflag:$0x2], $0x9600, $0x38;
	[tilespmem:$0x96C8] =	vst v63  }
0x1a: {  	_ =	swait.ge [sflag:s9], $0x9600  }
0x1b: {  	[sflag:s9] =	ssyncset.done $0x0  }
0x1c: {  	s31 =	sadd.s32 $0x0, s7;
	[sflag:s9] =	ssyncadd.s32 $0xFFFF6A00  }
0x1d: {  	[tilespmem:s1], [sflag:$0x2] =	stream.linear.gather [hbm4b:s31+s1], $0xC8, $0x38;
	[tilespmem:$0x96C8] =	vst v63  }
0x1e: {  	_ =	swait.ge [sflag:s9], $0xC8  }
0x1f: {  	[sflag:s9] =	ssyncset.done $0x0  }
0x20: {  	[sflag:s9] =	ssyncadd.s32 $0xFFFFFF38  }
0x21: {  	[tilespmem:s10], [sflag:$0x1] =	stream.indirect.gather [hbm4b:s3+s10], $0xC0, s1, s10, $0xb8;
	[tilespmem:$0x96C8] =	vst v63  }
0x22: {  	_ =	swait.ge [sflag:s11], $0x9600  }
0x23: {  	[sflag:s11] =	ssyncset.done $0x0  }
0x24: {  	[sflag:s11] =	ssyncadd.s32 $0xFFFF6A00  }
0x25: {  	[hbm4b:s6+s1] =	stream.linear.scatter [tilespmem:s10], [sflag:$0x2], $0x9600, $0x38;
	[tilespmem:$0x96C8] =	vst v63  }
0x26: {  	s14 =	simm.s32 $0x19;
	s16 =	simm.s32 $0x32;
	_ =	swait.ge [sflag:s9], $0x9600  }
0x27: {  	s15 =	sadd.s32 $0x12C0, s5;
	s13 =	sadd.s32 $0x12C0, s6;
	[sflag:s9] =	ssyncset.done $0x0  }
.LBB2_2:
0x28: {  	s17 =	sadd.s32 s14, s8  }
0x29: {  	[sflag:s9] =	ssyncadd.s32 $0xFFFF6A00;
	s18 =	smov.u32 s16;
	s19 =	sadd.s32 $0x19, s16  }
0x2a: {  	[tilespmem:s1], [sflag:$0x2] =	stream.linear.gather [hbm4b:s17+s1], $0xC8, $0x38;
	[tilespmem:$0x96C8] =	vst v63  }
0x2b: {  	p0 =	sne.s32 s16, $0x258;
	_ =	swait.ge [sflag:s9], $0xC8  }
0x2c: {  	[sflag:s9] =	ssyncset.done $0x0  }
0x2d: {  	[sflag:s9] =	ssyncadd.s32 $0xFFFFFF38  }
0x2e: {  	[tilespmem:s10], [sflag:$0x1] =	stream.indirect.gather [hbm4b:s3+s10], $0xC0, s1, s10, $0xb8;
	[tilespmem:$0x96C8] =	vst v63  }
0x2f: {  	_ =	swait.ge [sflag:s11], $0x9600  }
0x30: {  	[sflag:s11] =	ssyncset.done $0x0  }
0x31: {  	[sflag:s11] =	ssyncadd.s32 $0xFFFF6A00  }
0x32: {  	[hbm4b:s15+s1] =	stream.linear.scatter [tilespmem:s10], [sflag:$0x2], $0x9600, $0x38;
	[tilespmem:$0x96C8] =	vst v63  }
0x33: {  	_ =	swait.ge [sflag:s9], $0x9600  }
0x34: {  	[sflag:s9] =	ssyncset.done $0x0  }
0x35: {  	s16 =	sadd.s32 s14, s7;
	s14 =	smov.u32 s18;
	[sflag:s9] =	ssyncadd.s32 $0xFFFF6A00  }
0x36: {  	[tilespmem:s1], [sflag:$0x2] =	stream.linear.gather [hbm4b:s16+s1], $0xC8, $0x38;
	[tilespmem:$0x96C8] =	vst v63  }
0x37: {  	_ =	swait.ge [sflag:s9], $0xC8  }
0x38: {  	[sflag:s9] =	ssyncset.done $0x0  }
0x39: {  	[sflag:s9] =	ssyncadd.s32 $0xFFFFFF38  }
0x3a: {  	[tilespmem:s10], [sflag:$0x1] =	stream.indirect.gather [hbm4b:s3+s10], $0xC0, s1, s10, $0xb8;
	[tilespmem:$0x96C8] =	vst v63  }
0x3b: {  	_ =	swait.ge [sflag:s11], $0x9600  }
.Ltmp0:
0x3c: {  	[sflag:s11] =	ssyncset.done $0x0;
	(pc) =	sbr.rel @p0 .LBB2_2-.Ltmp0, $4  }
0x3d: {  	[sflag:s11] =	ssyncadd.s32 $0xFFFF6A00  }
0x3e: {  	[hbm4b:s13+s1] =	stream.linear.scatter [tilespmem:s10], [sflag:$0x2], $0x9600, $0x38;
	[tilespmem:$0x96C8] =	vst v63  }
0x3f: {  	s15 =	sadd.s32 $0x12C0, s15;
	_ =	swait.ge [sflag:s9], $0x9600  }
0x40: {  	s16 =	smov.u32 s19;
	s13 =	sadd.s32 $0x12C0, s13;
	[sflag:s9] =	ssyncset.done $0x0  }
0x41: {  	s16 =	sadd.s32 s14, s8;
	[sflag:s9] =	ssyncadd.s32 $0xFFFF6A00  }
0x42: {  	[tilespmem:s1], [sflag:$0x2] =	stream.linear.gather [hbm4b:s16+s1], $0xC8, $0x38;
	[tilespmem:$0x96C8] =	vst v63  }
0x43: {  	_ =	swait.ge [sflag:s9], $0xC8  }
0x44: {  	[sflag:s9] =	ssyncset.done $0x0  }
0x45: {  	[sflag:s9] =	ssyncadd.s32 $0xFFFFFF38  }
0x46: {  	[tilespmem:s10], [sflag:$0x1] =	stream.indirect.gather [hbm4b:s3+s10], $0xC0, s1, s10, $0xb8;
	[tilespmem:$0x96C8] =	vst v63  }
0x47: {  	_ =	swait.ge [sflag:s11], $0x9600  }
0x48: {  	[sflag:s11] =	ssyncset.done $0x0  }
0x49: {  	[sflag:s11] =	ssyncadd.s32 $0xFFFF6A00  }
0x4a: {  	[hbm4b:s15+s1] =	stream.linear.scatter [tilespmem:s10], [sflag:$0x2], $0x9600, $0x38;
	[tilespmem:$0x96C8] =	vst v63  }
0x4b: {  	_ =	swait.ge [sflag:s9], $0x9600  }
0x4c: {  	[sflag:s9] =	ssyncset.done $0x0  }
0x4d: {  	s31 =	sadd.s32 s14, s7;
	[sflag:s9] =	ssyncadd.s32 $0xFFFF6A00  }
0x4e: {  	[tilespmem:s1], [sflag:$0x2] =	stream.linear.gather [hbm4b:s31+s1], $0xC8, $0x38;
	[tilespmem:$0x96C8] =	vst v63  }
0x4f: {  	_ =	swait.ge [sflag:s9], $0xC8  }
0x50: {  	[sflag:s9] =	ssyncset.done $0x0  }
0x51: {  	[sflag:s9] =	ssyncadd.s32 $0xFFFFFF38  }
0x52: {  	[tilespmem:s10], [sflag:$0x1] =	stream.indirect.gather [hbm4b:s3+s10], $0xC0, s1, s10, $0xb8;
	[tilespmem:$0x96C8] =	vst v63  }
0x53: {  	s12 =	sadd.s32 $0x1, s12;
	_ =	swait.ge [sflag:s11], $0x9600  }
0x54: {  	p0 =	sne.s32 s12, s4;
	[sflag:s11] =	ssyncset.done $0x0  }
.Ltmp1:
0x55: {  	[sflag:s11] =	ssyncadd.s32 $0xFFFF6A00;
	(pc) =	sbr.rel @p0 .LBB2_1-.Ltmp1, $4  }
0x56: {  	[hbm4b:s13+s1] =	stream.linear.scatter [tilespmem:s10], [sflag:$0x2], $0x9600, $0x38;
	[tilespmem:$0x96C8] =	vst v63  }
0x57: {  	_ =	swait.ge [sflag:s9], $0x9600  }
0x58: {  	[sflag:s9] =	ssyncset.done $0x0  }
0x59: {  	[sflag:s9] =	ssyncadd.s32 $0xFFFF6A00  }
0x5a: {  	_ =	sfence.sel $0x180000  }
0x5b: {  	[bflag:$0x0] =	sbarrier.arrive $0xFFFF  }
0x5c: {  	p0 =	sne.s32 s2, $0x0;
	_ =	strace $0x90000047  }
0x5d: {  	s0 =	sadd.s32 @!p0 $0x100000, s0;
	[bflag:$0x2] =	sbarrier.arrive $0xFFFF  }
0x5e: {  	[sflag:s0] =	ssyncadd.tile.s32 @!p0 $0x1;
	_ =	shalt  }
.Lfunc_end2:
_tile_overlayer_lowered:
.L_overlay_start_2:
0x5f: {  	(tag) =	ssettag $0x2  }
0x60: {  	s0 =	rddreg [dreg:$0x0];
	s2 =	stileid.u32  }
0x61: {  	s1 =	rddreg [dreg:$0x1];
	p0 =	sne.s32 s2, $0x0  }
0x62: {  	s3 =	rddreg [dreg:$0x2];
	[bflag:$0x3] =	sbarrier.arrive $0xFFFF;
	s2 =	simm.s32 @!p0 $0x1C02  }
0x63: {  	[timem:s3], [sflag:s2] =	dma.local @!p0 [hbm:s0], s1  }
0x64: {  	s0 =	simm.s32 @!p0 $0x2  }
0x65: {  	_ =	swait.ge @!p0 [sflag:s0], s1  }
0x66: {  	s1 =	ssub.s32 @!p0 $0x0, s1;
	[sflag:s0] =	ssyncset.done @!p0 $0x0  }
0x67: {  	[sflag:s0] =	ssyncadd.s32 @!p0 s1  }
0x68: {  	[bflag:$0x3] =	sbarrier.arrive $0xFFFF  }
0x69: {  	_ =	shalt  }

// kernel: sparse-core-data-format-call.1.cloned.1.call-start
scs
called_computation.1_lowered:
.L_overlay_start_0:
0x0: {  	s2 =	sld [smem:$0x3FD9]  }
0x1: {  	s3 =	sld [smem:$0x3FFE];
	_ =	sdelay $0x1  }
0x2: {  	s1 =	srdreg.scid  }
0x3: {  	s0 =	sand.u32 $0x1, s1  }
0x4: {  	s15 =	sshll.u32 s0, $0xA;
	s2 =	sadd.s32 s3, s2  }
0x5: {  	s2 =	sadd.s32 s2, s15  }
0x6: {  	[smem:$0x3FC5] =	sst s2  }
0x7: {  	_ = 	snop  }
0x8: {  	s2 =	sld [smem:$0x3FD0];
	_ =	sdelay $0x2  }
0x9: {  	s16 =	simm.s32 $0xB;
	s4 =	simm.s32 $0x10  }
0xa: {  	[smem:s4], [sflag:s16] =	dma.local [hbm:s2], $0x1  }
0xb: {  	_ =	swait.eq [sflag:s16], $0x1  }
0xc: {  	[sflag:s16] =	ssyncset.done $0x0  }
0xd: {  	[sflag:s16] =	ssyncadd.s32 $0xFFFFFFFF  }
0xe: {  	s17 =	sld [smem:$0x10];
	(tm) =	ssettm $0x1  }
0xf: {  	s18 =	sld [smem:$0x3FFB];
	_ =	sdelay $0x3  }
0x10: {  	_ =	strace s18  }
0x11: {  	s3 =	sld [smem:$0x3FFC];
	_ =	sdelay $0x3  }
0x12: {  	_ =	strace s3  }
0x13: {  	s3 =	sld [smem:$0x3FFD];
	_ =	sdelay $0x3  }
0x14: {  	_ =	strace s3  }
0x15: {  	_ =	strace $0x8FFFFFFF  }
0x16: {  	s19 =	sld [smem:$0x3FDB];
	_ =	sdelay $0x1  }
0x17: {  	s20 =	simm.s32 $_scs_section_size  }
0x18: {  	s5 =	simm.s32 $_size__tile_overlayer_lowered;
	s6 =	simm.s32 $_tile_overlayer_lowered  }
0x19: {  	s23 =	simm.s32 $0x1BFF;
	s22 =	sshll.u32 s6, $0x1;
	s3 =	sadd.s32 s20, s19  }
0x1a: {  	s7 =	simm.s32 $0x0;
	s21 =	sshll.u32 s5, $0x1;
	s5 =	sadd.s32 s22, s3  }
0x1b: {  	[timem:s7], [sflag:s23] =	dma.local [hbm:s5], s21  }
0x1c: {  	_ =	swait.ge [sflag:s23], s21  }
0x1d: {  	s4 =	ssub.s32 $0x0, s21;
	[sflag:s23] =	ssyncset.done $0x0  }
0x1e: {  	[sflag:s23] =	ssyncadd.s32 s4;
	_ =	sdelay $0x1  }
0x1f: {  	s24 =	simm.s32 $0x1B8B  }
0x20: {  	_ =	swait.ge [sflag:s24], $0x1  }
0x21: {  	[sflag:s24] =	ssyncset.done $0x0  }
0x22: {  	s26 =	simm.s32 $0x1B8E;
	s25 =	sld [smem:$0x3FFE];
	[sflag:s24] =	ssyncadd.s32 $0xFFFFFFFF  }
0x23: {  	s27 =	simm.s32 $execute0_lowered;
	[smem:$0x3FD2] =	sst s26  }
0x24: {  	s5 =	sshll.u32 s27, $0x1;
	_ =	strace $0x80000049;
	[dreg:$0x1] =	wrdreg $0xFFFFFFFF  }
0x25: {  	s28 =	simm.s32 $_size_execute0_lowered;
	s3 =	sadd.s32 s3, s5;
	[dreg:$0x0] =	wrdreg $0x0  }
0x26: {  	s5 =	sshll.u32 s28, $0x1;
	[dreg:$0x2] =	wrdreg s3  }
0x27: {  	[dreg:$0x3] =	wrdreg s5  }
0x28: {  	[dreg:$0x4] =	wrdreg $0xC0  }
0x29: {  	_ =	task [dreg:s7], $0x5FFFF  }
0x2a: {  	[dreg:$0x1] =	wrdreg $0xFFFFFFFF  }
0x2b: {  	[dreg:$0x0] =	wrdreg $0x60  }
0x2c: {  	[dreg:$0x2] =	wrdreg s25  }
0x2d: {  	[dreg:$0x3] =	wrdreg s17  }
0x2e: {  	[dreg:$0x4] =	wrdreg $0xA  }
0x2f: {  	_ =	task.clear_ibuf [dreg:s7], $0x5FFFF;
	_ =	strace $0x90000049  }
0x30: {  	s29 =	simm.s32 $0xA;
	_ =	strace $0x8000004B  }
0x31: {  	_ =	swait.ge [sflag:s29], $0x1  }
0x32: {  	[sflag:s29] =	ssyncadd.s32 $0xFFFFFFFF  }
0x33: {  	_ =	strace $0x9000004B  }
0x34: {  	_ =	sfence  }
0x35: {  	s30 =	sld [smem:$0x0];
	_ =	sdelay $0x2  }
0x36: {  	s31 =	sshll.u32 s1, $0xD;
	s1 =	sshrl.u32 s1, $0x2  }
0x37: {  	s3 =	sand.u32 $0x4000, s31;
	s1 =	sadd.s32 s1, s30  }
0x38: {  	s0 =	sor.u32 s3, s0;
	s1 =	sshll.u32 s1, $0x11  }
0x39: {  	s0 =	sor.u32 s1, s0  }
0x3a: {  	s0 =	sadd.s32 $0x8F2B, s0  }
0x3b: {  	[sflag:s0] =	ssyncadd.remote.s32 $0x1  }
0x3c: {  	_ =	sfence.sel $0xFFFF  }
0x3d: {  	[dreg:$0x0] =	wrdreg $0xFFFFFFFF;
	(pc) =	sbr.abs _section_cstart, $3  }
0x3e: {  	[dreg:$0x1] =	wrdreg $0xFFFFFFFF  }
0x3f: {  	_ =	task.clear_ibuf [dreg:s7], $0x2FFFF;
	_ =	strace $0x9FFFFFFF  }
0x40: {  	(tm) =	ssettm $0x7FFFFFFF  }
0x41: {  	_ =	shalt  }
tec
execute0_lowered:
.L_overlay_start_1:
0x0: {  	(tag) =	ssettag $0x1  }
0x1: {  	s4 =	rddreg [dreg:$0x0]  }
0x2: {  	s2 =	rddreg [dreg:$0x1]  }
0x3: {  	s0 =	rddreg [dreg:$0x2];
	s1 =	stileid.u32;
	_ =	strace $0x8000004A  }
0x4: {  	s5 =	srdreg.scid;
	s9 =	simm.s32 $0x2;
	s14 =	simm.s32 $0x0  }
0x5: {  	s16 =	simm.s32 $0x0;
	s11 =	simm.s32 $0x0;
	s12 =	simm.s32 $0x0  }
0x6: {  	s15 =	simm.s32 $0x0;
	s3 =	sshll.u32 s1, $0x7;
	s4 =	sadd.s32 $0x1000, s4  }
0x7: {  	s7 =	sshll.u32 s5, $0x7;
	s5 =	simm.s32 $0x1;
	s6 =	ssub.s32 $0x27100, s3  }
.Ltmp0:
0x8: {  	[sflag:s5] =	ssyncpa.u1 $0x0;
	s8 =	sand.u32 $0x780, s6;
	(pc) =	sbr.rel .LBB1_1-.Ltmp0, $4  }
0x9: {  	s13 =	smov.u32 s3;
	p0 =	sne.s32 s8, $0x0;
	s8 =	simm.s32 $0x1  }
0xa: {  	s10 =	sshrl.u32 s6, $0xB;
	s6 =	sand.u32 $0x80, s7;
	s8 =	simm.s32 @!p0 $0x0  }
0xb: {  	[sflag:s9] =	ssyncpa.u1 $0x0;
	p0 =	por $0x0, $0x0;
	s7 =	sadd.s32 s8, s10  }
0xc: {  	s8 =	sshll.u32 s6, $0x3;
	s10 =	simm.s32 $0x138800;
	s9 =	sadd.s32 $0x1, s7  }
.LBB1_4:
0xd: {  	s22 =	sshrl.u32 s11, $0x3  }
0xe: {  	s23 =	sshll.u32 s12, $0x3;
	s22 =	smul.u32 $0x138800, s22  }
0xf: {  	s23 =	sand.u32 $0xFFFFFC00, s23  }
0x10: {  	s24 =	sand.u32 $0x7F, s12;
	s22 =	sadd.s32 s23, s22  }
0x11: {  	s23 =	sor.u32 s24, s22;
	s22 =	smulhi.u32 $0xD1B71759, s22  }
0x12: {  	v5 =	vld [tilespmem:s18+$0xFFFFFFD0];
	[tilespmem:s20+$0x2040 ss:$0x81] =	vst.msk $0xffff, v4;
	p1 =	sgt.s32 s12, $0x27080;
	s25 =	smov.u32 s12;
	s26 =	sshra.s32 s12, $0x1F  }
0x13: {  	v58 =	vld [tilespmem:s18+$0xFFFFFFE0];
	[tilespmem:s20+$0x2850 ss:$0x81] =	vst.msk $0xffff, v3;
	s25 =	simm.s32 @!p1 $0x27080;
	s26 =	sand.u32 s26, s12;
	s22 =	sshrl.u32 s22, $0x11  }
0x14: {  	s21 =	sshra.s32 s21, $0x2;
	v59 =	vld [tilespmem:s18+$0xFFFFFFF0];
	[tilespmem:s20+$0x3060 ss:$0x81] =	vst.msk $0xffff, v2;
	s29 =	ssub.s32 s25, s26;
	s27 =	smul.u32 $0x2AAB, s22  }
0x15: {  	[tilespmem:s20+$0x0 ss:$0x81] =	vst.msk $0xffff, v0;
	v60 =	vld [tilespmem:s18+$0x0];
	s19 =	sadd.s32 s21, s19;
	s25 =	sadd.s32 $0xFFFD8F80, s29;
	s24 =	smulhi.u32 $0xD1B71759, s23  }
0x16: {  	v61 =	vld [tilespmem:s18+$0x10];
	p1 =	sgt.s32 s11, $0x40;
	[tilespmem:s19+$0x3870 ss:$0x81] =	vst.msk $0xffff, v1;
	p2 =	sgt.s32 s25, $0x7F;
	s31 =	sshrl.u32 s27, $0x15  }
0x17: {  	v62 =	vld [tilespmem:s18+$0x20];
	s25 =	smov.u32 s11;
	[tilespmem:s19+$0x810 ss:$0x81] =	vst.msk $0xffff, v5;
	s30 =	sshrl.u32 s24, $0x11;
	s24 =	smul.u32 $0xC0, s31  }
0x18: {  	v63 =	vld [tilespmem:s18+$0xFFFFFFC0];
	s20 =	ssub.s32 $0x27100, s29;
	s25 =	simm.s32 @!p1 $0x40;
	[tilespmem:s19+$0x1020 ss:$0x81] =	vst.msk $0xffff, v58;
	s26 =	smul.u32 $0x27100, s30  }
0x19: {  	[tilespmem:s19+$0x1830 ss:$0x81] =	vst.msk $0xffff, v59;
	s20 =	simm.s32 @p2 $0x0;
	s28 =	ssub.s32 $0xC0, s25;
	s27 =	ssub.s32 s22, s24  }
0x1a: {  	[tilespmem:s19+$0x2040 ss:$0x81] =	vst.msk $0xffff, v60;
	s20 =	smul.u32 s28, s20;
	s18 =	ssub.s32 s23, s26;
	s21 =	sand.u32 $0xFFFF, s27  }
0x1b: {  	[tilespmem:s19+$0x2850 ss:$0x81] =	vst.msk $0xffff, v61;
	s29 =	sshrl.u32 s18, $0x3;
	s18 =	sand.u32 $0x7, s18;
	s21 =	smul.u32 $0x4E20, s21  }
0x1c: {  	[tilespmem:s19+$0x3060 ss:$0x81] =	vst.msk $0xffff, v62;
	s22 =	sadd.s32 s2, s29;
	s18 =	sshll.u32 s18, $0x12  }
0x1d: {  	[tilespmem:s19+$0x0 ss:$0x81] =	vst.msk $0xffff, v63;
	s30 =	sand.u32 $0x3FFFFFC0, s20;
	s18 =	sor.u32 $0x400, s18;
	s31 =	sadd.s32 s21, s22  }
0x1e: {  	[hbm4b:s31+s18] =	stream.strided.scatter [tilespmem:s17], [sflag:$0x2], s30, s10, s18, $0x20;
	[tilespmem:$0x10100] =	vst v63  }
.LBB1_5:
0x1f: {  	p1 =	slt.u32 s15, $0x2  }
0x20: {  	p2 =	sgt.s32 @!p1 s16, $0x27080  }
0x21: {  	s17 =	smov.u32 s16;
	s18 =	sshra.s32 @!p1 s16, $0x1F;
	p2 =	por !p2, p1  }
0x22: {  	s16 =	sand.u32 @!p1 s18, s16;
	s17 =	simm.s32 @p2 $0x27080  }
0x23: {  	s16 =	ssub.s32 @!p1 s17, s16  }
0x24: {  	p2 =	sgt.s32 @!p1 s14, $0x40;
	s17 =	sadd.s32 @!p1 $0xFFFD8F80, s16  }
0x25: {  	s18 =	sadd.s32 $0x800, s13;
	p2 =	por !p2, p1;
	p3 =	sgt.s32 @!p1 s17, $0x7F  }
0x26: {  	s14 =	simm.s32 @p2 $0x40;
	s16 =	ssub.s32 @!p1 $0x27100, s16;
	p2 =	por !p3, p1  }
0x27: {  	s14 =	ssub.s32 @!p1 $0xC0, s14;
	s16 =	simm.s32 @!p2 $0x0;
	p2 =	sgt.s32 s18, $0x270FF  }
0x28: {  	s14 =	smul.u32 @!p1 s14, s16;
	s18 =	smov.u32 @p2 s3;
	p2 =	sne.s32 s15, s9  }
.Ltmp1:
0x29: {  	s20 =	sadd.s32 $0x1, s15;
	p0 =	por !p0, !p0;
	(pc) =	sbr.rel @!p2 .LBB1_6-.Ltmp1, $4  }
0x2a: {  	s17 =	simm.s32 @!p1 $0x2;
	s16 =	smov.u32 s12;
	s14 =	sand.u32 @!p1 $0x3FFFFFFF, s14  }
0x2b: {  	s12 =	smov.u32 s13;
	s15 =	smov.u32 s20;
	_ =	swait.ge @!p1 [sflag:s17], s14  }
0x2c: {  	s13 =	smov.u32 s18;
	s19 =	ssub.s32 @!p1 $0x0, s14;
	[sflag:s17] =	ssyncset.done @!p1 $0x0  }
0x2d: {  	s14 =	smov.u32 s11;
	s11 =	smov.u32 s6;
	[sflag:s17] =	ssyncadd.s32 @!p1 s19  }
.LBB1_1:
0x2e: {  	p1 =	sge.u32 s15, s7  }
0x2f: {  	s17 =	sshll.u32 @!p1 s13, $0x8  }
0x30: {  	s18 =	sshll.u32 @!p1 s13, $0x7;
	s17 =	sand.u32 @!p1 $0xFFFFF800, s17  }
0x31: {  	s18 =	sand.u32 @!p1 $0x300, s18;
	s17 =	sor.u32 @!p1 s8, s17  }
0x32: {  	s17 =	sor.u32 @!p1 s18, s17  }
0x33: {  	s17 =	sshrl.u32 @!p1 s17, $0x8  }
0x34: {  	s18 =	smulhi.u32 @!p1 $0x1A36E3, s17;
	_ =	sdelay $0x1  }
0x35: {  	s18 =	sshrl.u32 @!p1 s18, $0x6  }
0x36: {  	s18 =	smul.u32 @!p1 $0x27100, s18  }
0x37: {  	s31 =	sadd.s32 $0xFFFFFFFF, s15;
	s19 =	sxor.u32 @!p1 $0xFFFFFFFF, s15;
	s20 =	sshll.u32 @!p1 s13, $0x4  }
0x38: {  	s19 =	sshll.u32 @!p1 s19, $0xE;
	s17 =	ssub.s32 @!p1 s17, s18;
	s18 =	sand.u32 @!p1 $0x10, s20  }
0x39: {  	s19 =	sand.u32 @!p1 $0x4000, s19;
	s17 =	sshll.u32 @!p1 s17, $0x5;
	s18 =	sadd.s32 @!p1 s4, s18  }
0x3a: {  	s20 =	simm.s32 @!p1 $0x800;
	s17 =	sadd.s32 @!p1 s17, s18;
	s18 =	simm.s32 @!p1 $0x400  }
0x3b: {  	[tilespmem:s19], [sflag:$0x1] =	stream.strided.gather @!p1 [hbm4b:s17+s18], $0x4000, s20, s18, $0x38;
	[tilespmem:$0x10100] =	vst v63  }
0x3c: {  	p1 =	sge.u32 s31, s7  }
.Ltmp2:
0x3d: {  	_ = 	snop;
	(pc) =	sbr.rel @p1 .LBB1_5-.Ltmp2, $1  }
0x3e: {  	_ =	sdelay $0x3  }
0x3f: {  	s17 =	simm.s32 $0x1  }
0x40: {  	_ =	swait.ge [sflag:s5], $0x4000;
	s17 =	simm.s32 @!p0 $0x0  }
0x41: {  	[sflag:s5] =	ssyncset.done $0x0;
	s18 =	sshll.u32 s17, $0xE  }
0x42: {  	[sflag:s5] =	ssyncadd.s32 $0xFFFFC000;
	s18 =	sor.u32 $0x40, s18  }
0x43: {  	s17 =	smul.u32 $0x10200, s17;
	v0 =	vld [tilespmem:s18+$0x30]  }
0x44: {  	v1 =	vld [tilespmem:s18+$0xFFFFFFD0]  }
0x45: {  	s17 =	sshrl.u32 s17, $0x2;
	v5 =	vld [tilespmem:s18+$0xFFFFFFE0]  }
0x46: {  	v6 =	vld [tilespmem:s18+$0xFFFFFFF0];
	s19 =	sor.u32 $0x8000, s17  }
0x47: {  	s31 =	sand.u32 $0x1, s15;
	v4 =	vld [tilespmem:s18+$0x0];
	s20 =	sadd.s32 $0x0, s19  }
0x48: {  	v3 =	vld [tilespmem:s18+$0x10];
	s17 =	smul.u32 $0x10200, s31;
	[tilespmem:s20+$0x3870 ss:$0x81] =	vst.msk $0xffff, v0  }
0x49: {  	v2 =	vld [tilespmem:s18+$0x20];
	[tilespmem:s20+$0x810 ss:$0x81] =	vst.msk $0xffff, v1  }
0x4a: {  	s17 =	sshrl.u32 s17, $0x2;
	v0 =	vld [tilespmem:s18+$0xFFFFFFC0];
	[tilespmem:s20+$0x1020 ss:$0x81] =	vst.msk $0xffff, v5;
	s18 =	sadd.s32 $0x80, s18  }
0x4b: {  	s21 =	simm.s32 $0x4;
	s22 =	simm.s32 $0x8;
	s17 =	sor.u32 $0x8000, s17;
	[tilespmem:s20+$0x1830 ss:$0x81] =	vst.msk $0xffff, v6;
	v1 =	vld [tilespmem:s18+$0x30]  }
.LBB1_3:
0x4c: {  	p1 =	sne.s32 s22, $0x1FC;
	v5 =	vld [tilespmem:s18+$0xFFFFFFD0];
	[tilespmem:s20+$0x2040 ss:$0x81] =	vst.msk $0xffff, v4  }
0x4d: {  	v6 =	vld [tilespmem:s18+$0xFFFFFFE0];
	[tilespmem:s20+$0x2850 ss:$0x81] =	vst.msk $0xffff, v3  }
0x4e: {  	s23 =	sshra.s32 s21, $0x2;
	s21 =	smov.u32 s22;
	v7 =	vld [tilespmem:s18+$0xFFFFFFF0];
	[tilespmem:s20+$0x3060 ss:$0x81] =	vst.msk $0xffff, v2  }
.Ltmp3:
0x4f: {  	v4 =	vld [tilespmem:s18+$0x0];
	[tilespmem:s20+$0x0 ss:$0x81] =	vst.msk $0xffff, v0;
	s20 =	sadd.s32 s23, s19;
	(pc) =	sbr.rel @p1 .LBB1_3-.Ltmp3, $4  }
0x50: {  	v3 =	vld [tilespmem:s18+$0x10];
	[tilespmem:s20+$0x3870 ss:$0x81] =	vst.msk $0xffff, v1  }
0x51: {  	[tilespmem:s20+$0x810 ss:$0x81] =	vst.msk $0xffff, v5;
	v2 =	vld [tilespmem:s18+$0x20]  }
0x52: {  	v0 =	vld [tilespmem:s18+$0xFFFFFFC0];
	[tilespmem:s20+$0x1020 ss:$0x81] =	vst.msk $0xffff, v6;
	s18 =	sadd.s32 $0x80, s18  }
0x53: {  	s22 =	sadd.s32 $0x4, s22;
	v1 =	vld [tilespmem:s18+$0x30];
	[tilespmem:s20+$0x1830 ss:$0x81] =	vst.msk $0xffff, v7  }
.Ltmp4:
0x54: {  	_ = 	snop;
	(pc) =	sbr.rel .LBB1_4-.Ltmp4, $1  }
0x55: {  	_ =	sdelay $0x3  }
.LBB1_6:
0x56: {  	_ =	sfence.sel $0x180000  }
0x57: {  	s2 =	simm.s32 $0x1;
	[bflag:$0x0] =	sbarrier.arrive $0xFFFF  }
0x58: {  	s31 =	simm.s32 $0x2;
	[sflag:s2] =	ssyncpa.u1 $0x1  }
0x59: {  	[sflag:s31] =	ssyncpa.u1 $0x1  }
0x5a: {  	p0 =	sne.s32 s1, $0x0;
	_ =	strace $0x9000004A  }
0x5b: {  	s0 =	sadd.s32 @!p0 $0x100000, s0;
	[bflag:$0x2] =	sbarrier.arrive $0xFFFF  }
0x5c: {  	[sflag:s0] =	ssyncadd.tile.s32 @!p0 $0x1;
	_ =	shalt  }
.Lfunc_end1:
_tile_overlayer_lowered:
.L_overlay_start_2:
0x5d: {  	(tag) =	ssettag $0x2  }
0x5e: {  	s0 =	rddreg [dreg:$0x0];
	s2 =	stileid.u32  }
0x5f: {  	s1 =	rddreg [dreg:$0x1];
	p0 =	sne.s32 s2, $0x0  }
0x60: {  	s3 =	rddreg [dreg:$0x2];
	[bflag:$0x3] =	sbarrier.arrive $0xFFFF;
	s2 =	simm.s32 @!p0 $0x1C01  }
0x61: {  	[timem:s3], [sflag:s2] =	dma.local @!p0 [hbm:s0], s1  }
0x62: {  	s0 =	simm.s32 @!p0 $0x1  }
0x63: {  	_ =	swait.ge @!p0 [sflag:s0], s1  }
0x64: {  	s1 =	ssub.s32 @!p0 $0x0, s1;
	[sflag:s0] =	ssyncset.done @!p0 $0x0  }
0x65: {  	[sflag:s0] =	ssyncadd.s32 @!p0 s1  }
0x66: {  	[bflag:$0x3] =	sbarrier.arrive $0xFFFF  }
0x67: {  	_ =	shalt  }

// kernel: sparse-core-data-format-call.cloned.1.call-start
scs
called_computation_lowered:
.L_overlay_start_0:
0x0: {  	s2 =	sld [smem:$0x3FD9]  }
0x1: {  	s3 =	sld [smem:$0x3FFE];
	_ =	sdelay $0x1  }
0x2: {  	s1 =	srdreg.scid  }
0x3: {  	s0 =	sand.u32 $0x1, s1  }
0x4: {  	s16 =	sshll.u32 s0, $0xA;
	s2 =	sadd.s32 s3, s2  }
0x5: {  	s2 =	sadd.s32 s2, s16  }
0x6: {  	[smem:$0x3FC5] =	sst s2  }
0x7: {  	_ = 	snop  }
0x8: {  	s2 =	sld [smem:$0x3FD0];
	_ =	sdelay $0x2  }
0x9: {  	s17 =	simm.s32 $0xB;
	s4 =	simm.s32 $0x10  }
0xa: {  	[smem:s4], [sflag:s17] =	dma.local [hbm:s2], $0x1  }
0xb: {  	_ =	swait.eq [sflag:s17], $0x1  }
0xc: {  	[sflag:s17] =	ssyncset.done $0x0  }
0xd: {  	[sflag:s17] =	ssyncadd.s32 $0xFFFFFFFF  }
0xe: {  	s18 =	sld [smem:$0x11];
	(tm) =	ssettm $0x1  }
0xf: {  	s19 =	sld [smem:$0x3FFB];
	_ =	sdelay $0x3  }
0x10: {  	_ =	strace s19  }
0x11: {  	s2 =	sld [smem:$0x3FFC];
	_ =	sdelay $0x3  }
0x12: {  	_ =	strace s2  }
0x13: {  	s2 =	sld [smem:$0x3FFD];
	_ =	sdelay $0x3  }
0x14: {  	_ =	strace s2  }
0x15: {  	_ =	strace $0x8FFFFFFF  }
0x16: {  	s20 =	sld [smem:$0x3FDB];
	_ =	sdelay $0x1  }
0x17: {  	s21 =	simm.s32 $_scs_section_size  }
0x18: {  	s5 =	simm.s32 $_size__tile_overlayer_lowered;
	s6 =	simm.s32 $_tile_overlayer_lowered  }
0x19: {  	s7 =	simm.s32 $0x1BFF;
	s22 =	sshll.u32 s6, $0x1;
	s4 =	sadd.s32 s21, s20  }
0x1a: {  	s23 =	simm.s32 $0x0;
	s5 =	sshll.u32 s5, $0x1;
	s6 =	sadd.s32 s22, s4  }
0x1b: {  	[timem:s23], [sflag:s7] =	dma.local [hbm:s6], s5  }
0x1c: {  	_ =	swait.ge [sflag:s7], s5  }
0x1d: {  	s5 =	ssub.s32 $0x0, s5;
	[sflag:s7] =	ssyncset.done $0x0  }
0x1e: {  	[sflag:s7] =	ssyncadd.s32 s5;
	_ =	sdelay $0x1  }
0x1f: {  	s24 =	simm.s32 $0x1B8B  }
0x20: {  	_ =	swait.ge [sflag:s24], $0x1  }
0x21: {  	[sflag:s24] =	ssyncset.done $0x0  }
0x22: {  	[sflag:s24] =	ssyncadd.s32 $0xFFFFFFFF  }
0x23: {  	s5 =	sld [smem:$0x0]  }
0x24: {  	s6 =	sand.u32 $0xFFFFFFFE, s1  }
0x25: {  	p0 =	sne.s32 s1, s6  }
0x26: {  	s6 =	sshll.u32 @p0 s6, $0xE  }
0x27: {  	s6 =	sadd.s32 @p0 $0x11B8D, s6;
	s7 =	sshll.u32 @p0 s5, $0x11  }
0x28: {  	s6 =	sor.u32 @p0 s7, s6  }
0x29: {  	[sflag:s6] =	ssyncadd.remote.s32 @p0 $0x1;
	_ =	sdelay $0x1  }
0x2a: {  	s6 =	simm.s32 @p0 $0x1B8D  }
0x2b: {  	_ =	swait.eq @p0 [sflag:s6], $0x1  }
0x2c: {  	[sflag:s6] =	ssyncadd.s32 @p0 $0xFFFFFFFF  }
0x2d: {  	s7 =	sshll.u32 @!p0 s1, $0xE  }
0x2e: {  	s7 =	sor.u32 @!p0 $0x4000, s7;
	s6 =	simm.s32 @!p0 $0x1B8D  }
0x2f: {  	s5 =	sshll.u32 @!p0 s5, $0x11;
	s7 =	sadd.s32 @!p0 $0x11B8D, s7;
	_ =	swait.eq @!p0 [sflag:s6], $0x1  }
0x30: {  	s5 =	sor.u32 @!p0 s5, s7;
	[sflag:s6] =	ssyncadd.s32 @!p0 $0xFFFFFFFF  }
0x31: {  	s26 =	simm.s32 $0x1B8E;
	s25 =	sld [smem:$0x3FFE];
	[sflag:s5] =	ssyncadd.remote.s32 @!p0 $0x1  }
0x32: {  	s27 =	simm.s32 $execute0_lowered;
	[smem:$0x3FD2] =	sst s26  }
0x33: {  	s6 =	sshll.u32 s27, $0x1;
	_ =	strace $0x8000004C;
	[dreg:$0x1] =	wrdreg $0xFFFFFFFF  }
0x34: {  	s28 =	simm.s32 $_size_execute0_lowered;
	s4 =	sadd.s32 s4, s6;
	[dreg:$0x0] =	wrdreg $0x0  }
0x35: {  	s6 =	sshll.u32 s28, $0x1;
	[dreg:$0x2] =	wrdreg s4  }
0x36: {  	[dreg:$0x3] =	wrdreg s6  }
0x37: {  	[dreg:$0x4] =	wrdreg $0xC0  }
0x38: {  	_ =	task [dreg:s23], $0x5FFFF  }
0x39: {  	[dreg:$0x1] =	wrdreg $0xFFFFFFFF  }
0x3a: {  	[dreg:$0x0] =	wrdreg $0x60  }
0x3b: {  	[dreg:$0x2] =	wrdreg s25  }
0x3c: {  	[dreg:$0x3] =	wrdreg s18  }
0x3d: {  	[dreg:$0x4] =	wrdreg $0x9  }
0x3e: {  	_ =	task.clear_ibuf [dreg:s23], $0x5FFFF;
	_ =	strace $0x9000004C  }
0x3f: {  	s29 =	simm.s32 $0x9;
	_ =	strace $0x8000004E  }
0x40: {  	_ =	swait.ge [sflag:s29], $0x1  }
0x41: {  	[sflag:s29] =	ssyncadd.s32 $0xFFFFFFFF  }
0x42: {  	_ =	strace $0x9000004E  }
0x43: {  	_ =	sfence  }
0x44: {  	s30 =	sld [smem:$0x0];
	_ =	sdelay $0x2  }
0x45: {  	s31 =	sshll.u32 s1, $0xD;
	s1 =	sshrl.u32 s1, $0x2  }
0x46: {  	s4 =	sand.u32 $0x4000, s31;
	s1 =	sadd.s32 s1, s30  }
0x47: {  	s0 =	sor.u32 s4, s0;
	s1 =	sshll.u32 s1, $0x11  }
0x48: {  	s0 =	sor.u32 s1, s0  }
0x49: {  	s0 =	sadd.s32 $0x8F2B, s0  }
0x4a: {  	[sflag:s0] =	ssyncadd.remote.s32 $0x1  }
0x4b: {  	_ =	sfence.sel $0xFFFF  }
0x4c: {  	[dreg:$0x0] =	wrdreg $0xFFFFFFFF;
	(pc) =	sbr.abs _section_cstart, $3  }
0x4d: {  	[dreg:$0x1] =	wrdreg $0xFFFFFFFF  }
0x4e: {  	_ =	task.clear_ibuf [dreg:s23], $0x2FFFF;
	_ =	strace $0x9FFFFFFF  }
0x4f: {  	(tm) =	ssettm $0x7FFFFFFF  }
tec
execute0_lowered:
.L_overlay_start_1:
0x0: {  	(tag) =	ssettag $0x1  }
0x1: {  	s4 =	rddreg [dreg:$0x0]  }
0x2: {  	s2 =	rddreg [dreg:$0x1]  }
0x3: {  	s0 =	rddreg [dreg:$0x2];
	s1 =	stileid.u32;
	_ =	strace $0x8000004D  }
0x4: {  	s5 =	srdreg.scid;
	s9 =	simm.s32 $0x2;
	s14 =	simm.s32 $0x0  }
0x5: {  	s16 =	simm.s32 $0x0;
	s11 =	simm.s32 $0x0;
	s12 =	simm.s32 $0x0  }
0x6: {  	s15 =	simm.s32 $0x0;
	s3 =	sshll.u32 s1, $0x7;
	s4 =	sadd.s32 $0x4E3000, s4  }
0x7: {  	s7 =	sshll.u32 s5, $0x7;
	s5 =	simm.s32 $0x1;
	s6 =	ssub.s32 $0x27100, s3  }
.Ltmp0:
0x8: {  	[sflag:s5] =	ssyncpa.u1 $0x0;
	s8 =	sand.u32 $0x780, s6;
	(pc) =	sbr.rel .LBB1_1-.Ltmp0, $4  }
0x9: {  	s13 =	smov.u32 s3;
	p0 =	sne.s32 s8, $0x0;
	s8 =	simm.s32 $0x1  }
0xa: {  	s10 =	sshrl.u32 s6, $0xB;
	s6 =	sand.u32 $0x80, s7;
	s8 =	simm.s32 @!p0 $0x0  }
0xb: {  	[sflag:s9] =	ssyncpa.u1 $0x0;
	p0 =	por $0x0, $0x0;
	s7 =	sadd.s32 s8, s10  }
0xc: {  	s8 =	sshll.u32 s6, $0x3;
	s10 =	simm.s32 $0x138800;
	s9 =	sadd.s32 $0x1, s7  }
.LBB1_4:
0xd: {  	s22 =	sshrl.u32 s11, $0x3  }
0xe: {  	s23 =	sshll.u32 s12, $0x3;
	s22 =	smul.u32 $0x138800, s22  }
0xf: {  	s23 =	sand.u32 $0xFFFFFC00, s23  }
0x10: {  	s24 =	sand.u32 $0x7F, s12;
	s22 =	sadd.s32 s23, s22  }
0x11: {  	s23 =	sor.u32 s24, s22;
	s22 =	smulhi.u32 $0xD1B71759, s22  }
0x12: {  	v5 =	vld [tilespmem:s18+$0xFFFFFFD0];
	[tilespmem:s20+$0x2040 ss:$0x81] =	vst.msk $0xffff, v4;
	p1 =	sgt.s32 s12, $0x27080;
	s25 =	smov.u32 s12;
	s26 =	sshra.s32 s12, $0x1F  }
0x13: {  	v58 =	vld [tilespmem:s18+$0xFFFFFFE0];
	[tilespmem:s20+$0x2850 ss:$0x81] =	vst.msk $0xffff, v3;
	s25 =	simm.s32 @!p1 $0x27080;
	s26 =	sand.u32 s26, s12;
	s22 =	sshrl.u32 s22, $0x11  }
0x14: {  	s21 =	sshra.s32 s21, $0x2;
	v59 =	vld [tilespmem:s18+$0xFFFFFFF0];
	[tilespmem:s20+$0x3060 ss:$0x81] =	vst.msk $0xffff, v2;
	s29 =	ssub.s32 s25, s26;
	s27 =	smul.u32 $0x2AAB, s22  }
0x15: {  	[tilespmem:s20+$0x0 ss:$0x81] =	vst.msk $0xffff, v0;
	v60 =	vld [tilespmem:s18+$0x0];
	s19 =	sadd.s32 s21, s19;
	s25 =	sadd.s32 $0xFFFD8F80, s29;
	s24 =	smulhi.u32 $0xD1B71759, s23  }
0x16: {  	v61 =	vld [tilespmem:s18+$0x10];
	p1 =	sgt.s32 s11, $0x40;
	[tilespmem:s19+$0x3870 ss:$0x81] =	vst.msk $0xffff, v1;
	p2 =	sgt.s32 s25, $0x7F;
	s31 =	sshrl.u32 s27, $0x15  }
0x17: {  	v62 =	vld [tilespmem:s18+$0x20];
	s25 =	smov.u32 s11;
	[tilespmem:s19+$0x810 ss:$0x81] =	vst.msk $0xffff, v5;
	s30 =	sshrl.u32 s24, $0x11;
	s24 =	smul.u32 $0xC0, s31  }
0x18: {  	v63 =	vld [tilespmem:s18+$0xFFFFFFC0];
	s20 =	ssub.s32 $0x27100, s29;
	s25 =	simm.s32 @!p1 $0x40;
	[tilespmem:s19+$0x1020 ss:$0x81] =	vst.msk $0xffff, v58;
	s26 =	smul.u32 $0x27100, s30  }
0x19: {  	[tilespmem:s19+$0x1830 ss:$0x81] =	vst.msk $0xffff, v59;
	s20 =	simm.s32 @p2 $0x0;
	s28 =	ssub.s32 $0xC0, s25;
	s27 =	ssub.s32 s22, s24  }
0x1a: {  	[tilespmem:s19+$0x2040 ss:$0x81] =	vst.msk $0xffff, v60;
	s20 =	smul.u32 s28, s20;
	s18 =	ssub.s32 s23, s26;
	s21 =	sand.u32 $0xFFFF, s27  }
0x1b: {  	[tilespmem:s19+$0x2850 ss:$0x81] =	vst.msk $0xffff, v61;
	s29 =	sshrl.u32 s18, $0x3;
	s18 =	sand.u32 $0x7, s18;
	s21 =	smul.u32 $0x4E20, s21  }
0x1c: {  	[tilespmem:s19+$0x3060 ss:$0x81] =	vst.msk $0xffff, v62;
	s22 =	sadd.s32 s2, s29;
	s18 =	sshll.u32 s18, $0x12  }
0x1d: {  	[tilespmem:s19+$0x0 ss:$0x81] =	vst.msk $0xffff, v63;
	s30 =	sand.u32 $0x3FFFFFC0, s20;
	s18 =	sor.u32 $0x400, s18;
	s31 =	sadd.s32 s21, s22  }
0x1e: {  	[hbm4b:s31+s18] =	stream.strided.scatter [tilespmem:s17], [sflag:$0x2], s30, s10, s18, $0x20;
	[tilespmem:$0x10100] =	vst v63  }
.LBB1_5:
0x1f: {  	p1 =	slt.u32 s15, $0x2  }
0x20: {  	p2 =	sgt.s32 @!p1 s16, $0x27080  }
0x21: {  	s17 =	smov.u32 s16;
	s18 =	sshra.s32 @!p1 s16, $0x1F;
	p2 =	por !p2, p1  }
0x22: {  	s16 =	sand.u32 @!p1 s18, s16;
	s17 =	simm.s32 @p2 $0x27080  }
0x23: {  	s16 =	ssub.s32 @!p1 s17, s16  }
0x24: {  	p2 =	sgt.s32 @!p1 s14, $0x40;
	s17 =	sadd.s32 @!p1 $0xFFFD8F80, s16  }
0x25: {  	s18 =	sadd.s32 $0x800, s13;
	p2 =	por !p2, p1;
	p3 =	sgt.s32 @!p1 s17, $0x7F  }
0x26: {  	s14 =	simm.s32 @p2 $0x40;
	s16 =	ssub.s32 @!p1 $0x27100, s16;
	p2 =	por !p3, p1  }
0x27: {  	s14 =	ssub.s32 @!p1 $0xC0, s14;
	s16 =	simm.s32 @!p2 $0x0;
	p2 =	sgt.s32 s18, $0x270FF  }
0x28: {  	s14 =	smul.u32 @!p1 s14, s16;
	s18 =	smov.u32 @p2 s3;
	p2 =	sne.s32 s15, s9  }
.Ltmp1:
0x29: {  	s20 =	sadd.s32 $0x1, s15;
	p0 =	por !p0, !p0;
	(pc) =	sbr.rel @!p2 .LBB1_6-.Ltmp1, $4  }
0x2a: {  	s17 =	simm.s32 @!p1 $0x2;
	s16 =	smov.u32 s12;
	s14 =	sand.u32 @!p1 $0x3FFFFFFF, s14  }
0x2b: {  	s12 =	smov.u32 s13;
	s15 =	smov.u32 s20;
	_ =	swait.ge @!p1 [sflag:s17], s14  }
0x2c: {  	s13 =	smov.u32 s18;
	s19 =	ssub.s32 @!p1 $0x0, s14;
	[sflag:s17] =	ssyncset.done @!p1 $0x0  }
0x2d: {  	s14 =	smov.u32 s11;
	s11 =	smov.u32 s6;
	[sflag:s17] =	ssyncadd.s32 @!p1 s19  }
.LBB1_1:
0x2e: {  	p1 =	sge.u32 s15, s7  }
0x2f: {  	s17 =	sshll.u32 @!p1 s13, $0x8  }
0x30: {  	s18 =	sshll.u32 @!p1 s13, $0x7;
	s17 =	sand.u32 @!p1 $0xFFFFF800, s17  }
0x31: {  	s18 =	sand.u32 @!p1 $0x300, s18;
	s17 =	sor.u32 @!p1 s8, s17  }
0x32: {  	s17 =	sor.u32 @!p1 s18, s17  }
0x33: {  	s17 =	sshrl.u32 @!p1 s17, $0x8  }
0x34: {  	s18 =	smulhi.u32 @!p1 $0x1A36E3, s17;
	_ =	sdelay $0x1  }
0x35: {  	s18 =	sshrl.u32 @!p1 s18, $0x6  }
0x36: {  	s18 =	smul.u32 @!p1 $0x27100, s18  }
0x37: {  	s31 =	sadd.s32 $0xFFFFFFFF, s15;
	s19 =	sxor.u32 @!p1 $0xFFFFFFFF, s15;
	s20 =	sshll.u32 @!p1 s13, $0x4  }
0x38: {  	s19 =	sshll.u32 @!p1 s19, $0xE;
	s17 =	ssub.s32 @!p1 s17, s18;
	s18 =	sand.u32 @!p1 $0x10, s20  }
0x39: {  	s19 =	sand.u32 @!p1 $0x4000, s19;
	s17 =	sshll.u32 @!p1 s17, $0x5;
	s18 =	sadd.s32 @!p1 s4, s18  }
0x3a: {  	s20 =	simm.s32 @!p1 $0x800;
	s17 =	sadd.s32 @!p1 s17, s18;
	s18 =	simm.s32 @!p1 $0x400  }
0x3b: {  	[tilespmem:s19], [sflag:$0x1] =	stream.strided.gather @!p1 [hbm4b:s17+s18], $0x4000, s20, s18, $0x38;
	[tilespmem:$0x10100] =	vst v63  }
0x3c: {  	p1 =	sge.u32 s31, s7  }
.Ltmp2:
0x3d: {  	_ = 	snop;
	(pc) =	sbr.rel @p1 .LBB1_5-.Ltmp2, $1  }
0x3e: {  	_ =	sdelay $0x3  }
0x3f: {  	s17 =	simm.s32 $0x1  }
0x40: {  	_ =	swait.ge [sflag:s5], $0x4000;
	s17 =	simm.s32 @!p0 $0x0  }
0x41: {  	[sflag:s5] =	ssyncset.done $0x0;
	s18 =	sshll.u32 s17, $0xE  }
0x42: {  	[sflag:s5] =	ssyncadd.s32 $0xFFFFC000;
	s18 =	sor.u32 $0x40, s18  }
0x43: {  	s17 =	smul.u32 $0x10200, s17;
	v0 =	vld [tilespmem:s18+$0x30]  }
0x44: {  	v1 =	vld [tilespmem:s18+$0xFFFFFFD0]  }
0x45: {  	s17 =	sshrl.u32 s17, $0x2;
	v5 =	vld [tilespmem:s18+$0xFFFFFFE0]  }
0x46: {  	v6 =	vld [tilespmem:s18+$0xFFFFFFF0];
	s19 =	sor.u32 $0x8000, s17  }
0x47: {  	s31 =	sand.u32 $0x1, s15;
	v4 =	vld [tilespmem:s18+$0x0];
	s20 =	sadd.s32 $0x0, s19  }
0x48: {  	v3 =	vld [tilespmem:s18+$0x10];
	s17 =	smul.u32 $0x10200, s31;
	[tilespmem:s20+$0x3870 ss:$0x81] =	vst.msk $0xffff, v0  }
0x49: {  	v2 =	vld [tilespmem:s18+$0x20];
	[tilespmem:s20+$0x810 ss:$0x81] =	vst.msk $0xffff, v1  }
0x4a: {  	s17 =	sshrl.u32 s17, $0x2;
	v0 =	vld [tilespmem:s18+$0xFFFFFFC0];
	[tilespmem:s20+$0x1020 ss:$0x81] =	vst.msk $0xffff, v5;
	s18 =	sadd.s32 $0x80, s18  }
0x4b: {  	s21 =	simm.s32 $0x4;
	s22 =	simm.s32 $0x8;
	s17 =	sor.u32 $0x8000, s17;
	[tilespmem:s20+$0x1830 ss:$0x81] =	vst.msk $0xffff, v6;
	v1 =	vld [tilespmem:s18+$0x30]  }
.LBB1_3:
0x4c: {  	p1 =	sne.s32 s22, $0x1FC;
	v5 =	vld [tilespmem:s18+$0xFFFFFFD0];
	[tilespmem:s20+$0x2040 ss:$0x81] =	vst.msk $0xffff, v4  }
0x4d: {  	v6 =	vld [tilespmem:s18+$0xFFFFFFE0];
	[tilespmem:s20+$0x2850 ss:$0x81] =	vst.msk $0xffff, v3  }
0x4e: {  	s23 =	sshra.s32 s21, $0x2;
	s21 =	smov.u32 s22;
	v7 =	vld [tilespmem:s18+$0xFFFFFFF0];
	[tilespmem:s20+$0x3060 ss:$0x81] =	vst.msk $0xffff, v2  }
.Ltmp3:
0x4f: {  	v4 =	vld [tilespmem:s18+$0x0];
	[tilespmem:s20+$0x0 ss:$0x81] =	vst.msk $0xffff, v0;
	s20 =	sadd.s32 s23, s19;
	(pc) =	sbr.rel @p1 .LBB1_3-.Ltmp3, $4  }
0x50: {  	v3 =	vld [tilespmem:s18+$0x10];
	[tilespmem:s20+$0x3870 ss:$0x81] =	vst.msk $0xffff, v1  }
0x51: {  	[tilespmem:s20+$0x810 ss:$0x81] =	vst.msk $0xffff, v5;
	v2 =	vld [tilespmem:s18+$0x20]  }
0x52: {  	v0 =	vld [tilespmem:s18+$0xFFFFFFC0];
	[tilespmem:s20+$0x1020 ss:$0x81] =	vst.msk $0xffff, v6;
	s18 =	sadd.s32 $0x80, s18  }
0x53: {  	s22 =	sadd.s32 $0x4, s22;
	v1 =	vld [tilespmem:s18+$0x30];
	[tilespmem:s20+$0x1830 ss:$0x81] =	vst.msk $0xffff, v7  }
.Ltmp4:
0x54: {  	_ = 	snop;
	(pc) =	sbr.rel .LBB1_4-.Ltmp4, $1  }
0x55: {  	_ =	sdelay $0x3  }
.LBB1_6:
0x56: {  	_ =	sfence.sel $0x180000  }
0x57: {  	s2 =	simm.s32 $0x1;
	[bflag:$0x0] =	sbarrier.arrive $0xFFFF  }
0x58: {  	s31 =	simm.s32 $0x2;
	[sflag:s2] =	ssyncpa.u1 $0x1  }
0x59: {  	[sflag:s31] =	ssyncpa.u1 $0x1  }
0x5a: {  	p0 =	sne.s32 s1, $0x0;
	_ =	strace $0x9000004D  }
0x5b: {  	s0 =	sadd.s32 @!p0 $0x100000, s0;
	[bflag:$0x2] =	sbarrier.arrive $0xFFFF  }
0x5c: {  	[sflag:s0] =	ssyncadd.tile.s32 @!p0 $0x1;
	_ =	shalt  }
.Lfunc_end1:
_tile_overlayer_lowered:
.L_overlay_start_2:
0x5d: {  	(tag) =	ssettag $0x2  }
0x5e: {  	s0 =	rddreg [dreg:$0x0];
	s2 =	stileid.u32  }
0x5f: {  	s1 =	rddreg [dreg:$0x1];
	p0 =	sne.s32 s2, $0x0  }
0x60: {  	s3 =	rddreg [dreg:$0x2];
	[bflag:$0x3] =	sbarrier.arrive $0xFFFF;
	s2 =	simm.s32 @!p0 $0x1C01  }
0x61: {  	[timem:s3], [sflag:s2] =	dma.local @!p0 [hbm:s0], s1  }
0x62: {  	s0 =	simm.s32 @!p0 $0x1  }
0x63: {  	_ =	swait.ge @!p0 [sflag:s0], s1  }
0x64: {  	s1 =	ssub.s32 @!p0 $0x0, s1;
	[sflag:s0] =	ssyncset.done @!p0 $0x0  }
0x65: {  	[sflag:s0] =	ssyncadd.s32 @!p0 s1  }
0x66: {  	[bflag:$0x3] =	sbarrier.arrive $0xFFFF  }
0x67: {  	_ =	shalt  }

</sc_bundles>
